<compile_context>
chip_gen: v7x
topology: tpu7x:2x2x1
jax: 0.10.2.dev20260603
libtpu: 0.0.44.dev20260713+nightly
codegen_flags: <defaults>
</compile_context>

<pallas_src>
import dataclasses
import functools

import jax
import jax.numpy as jnp
from jax import lax
from jax.experimental import pallas as pl
from jax.experimental.pallas import tpu as pltpu
from jax.experimental.pallas import tpu_sc as plsc

N_ROWS = 50000
D = 256
G = 512
NUM_LABELS = 10

NR = 16
NCOL = 2
CW = D // NCOL

CHUNK = 400
N_CHUNKS = N_ROWS // CHUNK
CPW = 5
SC_ROWS = NR * CPW * CHUNK

TAIL = N_ROWS - SC_ROWS
BT = CHUNK
TB = TAIL // BT


def _sc_segment_sum(x, idx):
    mesh = plsc.VectorSubcoreMesh(core_axis_name="c", subcore_axis_name="s")

    cp = pltpu.CompilerParams()
    if "needs_layout_passes" in pltpu.CompilerParams.__dataclass_fields__:
        cp = dataclasses.replace(cp, needs_layout_passes=False)

    @functools.partial(
        pl.kernel,
        compiler_params=cp,
        out_type=jax.ShapeDtypeStruct((NR, G, D), jnp.float32),
        mesh=mesh,
        scratch_types=[
            pltpu.VMEM((CHUNK, CW), jnp.float32),
            pltpu.VMEM((CPW * CHUNK,), jnp.int32),
            pltpu.VMEM((G, CW), jnp.float32),
        ],
    )
    def k(x_hbm, idx_hbm, out_hbm, rows_v, idx_v, acc_v):
        c = lax.axis_index("c")
        s = lax.axis_index("s")
        wid = s * 2 + c
        r = wid % NR
        cg = wid // NR
        col0 = cg * CW
        start_c = CPW * r

        pltpu.sync_copy(
            idx_hbm.at[pl.ds(start_c * CHUNK, CPW * CHUNK)], idx_v
        )

        @pl.loop(0, G)
        def _(row):
            @pl.loop(0, CW, step=16)
            def _(col):
                acc_v[row, pl.ds(col, 16)] = jnp.zeros((16,), jnp.float32)

        lane = lax.iota(jnp.int32, 16)

        @pl.loop(0, CPW)
        def _(i):
            chunk = start_c + i
            pltpu.sync_copy(
                x_hbm.at[pl.ds(chunk * CHUNK, CHUNK), pl.ds(col0, CW)],
                rows_v,
            )

            @pl.loop(0, CHUNK, step=16)
            def _(r0):
                idx16 = idx_v[pl.ds(i * CHUNK + r0, 16)]
                for j in range(16):
                    seg_vec = jnp.full((16,), idx16[j], jnp.int32)
                    vals = [
                        rows_v[r0 + j, pl.ds(16 * kk, 16)]
                        for kk in range(CW // 16)
                    ]
                    for kk in range(CW // 16):
                        plsc.addupdate_scatter(
                            acc_v,
                            [seg_vec, lane + (16 * kk)],
                            vals[kk],
                        )

        pltpu.sync_copy(acc_v, out_hbm.at[r, :, pl.ds(col0, CW)])

    return k(x, idx)


def _tc_tail(x_tail, idx_tail3d):

    def body(i_ref, x_ref, o_ref):
        step = pl.program_id(0)
        onehot = (
            i_ref[0, 0, :][:, None]
            == lax.broadcasted_iota(jnp.int32, (BT, G), 1)
        ).astype(jnp.bfloat16)
        xb = x_ref[...]
        hi = xb.astype(jnp.bfloat16)
        lo = (xb - hi.astype(jnp.float32)).astype(jnp.bfloat16)
        dims = (((0,), (0,)), ((), ()))
        part = lax.dot_general(
            onehot, hi, dims, preferred_element_type=jnp.float32
        ) + lax.dot_general(
            onehot, lo, dims, preferred_element_type=jnp.float32
        )

        @pl.when(step == 0)
        def _():
            o_ref[...] = part

        @pl.when(step > 0)
        def _():
            o_ref[...] += part

    return pl.pallas_call(
        body,
        grid=(TB,),
        in_specs=[
            pl.BlockSpec((1, 1, BT), lambda i: (SC_ROWS // BT + i, 0, 0)),
            pl.BlockSpec((BT, D), lambda i: (SC_ROWS // BT + i, 0)),
        ],
        out_specs=pl.BlockSpec((G, D), lambda i: (0, 0)),
        out_shape=jax.ShapeDtypeStruct((G, D), jnp.float32),
    )(idx_tail3d, x_tail)


def _tc_head(parts, tail, W, b):

    def body(p_ref, t_ref, w_ref, b_ref, o_ref):
        acc = jnp.sum(p_ref[...], axis=0) + t_ref[...]
        logits = lax.dot_general(
            acc,
            w_ref[...],
            (((1,), (1,)), ((), ())),
            preferred_element_type=jnp.float32,
            precision=lax.Precision.HIGHEST,
        )
        logits = logits + b_ref[...]
        m = jnp.max(logits, axis=1, keepdims=True)
        lse = jnp.log(jnp.sum(jnp.exp(logits - m), axis=1, keepdims=True)) + m
        o_ref[...] = logits - lse

    return pl.pallas_call(
        body,
        out_shape=jax.ShapeDtypeStruct((G, NUM_LABELS), jnp.float32),
    )(parts, tail, W, b.reshape(1, NUM_LABELS))


def kernel(node_embedding_matrix, batch_x_index, W, b):
    idx = batch_x_index.astype(jnp.int32)
    parts = _sc_segment_sum(node_embedding_matrix, idx)

    tail = _tc_tail(node_embedding_matrix, idx.reshape(N_CHUNKS, 1, CHUNK))

    return _tc_head(parts, tail, W, b)

# --- scband reference (transcript-rebuilt; emitter-appended) ---
"""Pipeline reference for scband-downstream-task-6081673691383 (READ-ONLY COPY).

The authoritative reference and input builder live on the scoring server;
editing this copy changes nothing except your own understanding.
"""

import jax, jax.numpy as jnp
import numpy as np

N_NODES = 50000
D = 256
NUM_GRAPHS = 512
NUM_LABELS = 10


def setup_inputs(seed: int = 0) -> dict:
    key = jax.random.key(seed)
    k1, k2, k3 = jax.random.split(key, 3)
    node_embedding_matrix = jax.random.normal(k1, (N_NODES, D), dtype=jnp.float32)
    batch_x_index = jnp.sort(jax.random.randint(k2, (N_NODES,), 0, NUM_GRAPHS))
    W = jax.random.normal(k3, (NUM_LABELS, D), dtype=jnp.float32) * 0.05
    b = jnp.zeros((NUM_LABELS,), dtype=jnp.float32)
    return {"node_embedding_matrix": node_embedding_matrix, "batch_x_index": batch_x_index, "W": W, "b": b}


def reference(node_embedding_matrix, batch_x_index, W, b):
    # sum pooling: scatter_add of node embeddings into per-graph embeddings
    graph_embedding = jax.ops.segment_sum(node_embedding_matrix, batch_x_index, num_segments=NUM_GRAPHS)
    # mlp (linear layer)
    logits = graph_embedding @ W.T + b
    # log_softmax over label dim
    predict_y = jax.nn.log_softmax(logits, axis=1)
    return predict_y

if __name__ == "__main__":
    import jax
    _d = setup_inputs()
    print(jax.jit(kernel)(*tuple(_d.values())))

</pallas_src>

<mosaic_0001>
#map = affine_map<(d0, d1) -> (0, 0)>
#map1 = affine_map<(d0, d1) -> (0)>
#map2 = affine_map<(d0, d1) -> (0, 0, 0)>
module attributes {stable_mosaic.version = 14 : i64} {
  func.func @k(%arg0: i32, %arg1: i32, %arg2: memref<50000x256xf32, #tpu.memory_space<hbm>>, %arg3: memref<50000xi32, #tpu.memory_space<hbm>>, %arg4: memref<16x512x256xf32, #tpu.memory_space<hbm>>, %arg5: memref<400x128xf32, #tpu.memory_space<vmem>>, %arg6: memref<2000xi32, #tpu.memory_space<vmem>>, %arg7: memref<512x128xf32, #tpu.memory_space<vmem>>) attributes {dimension_semantics = [#tpu.dimension_semantics<core_parallel>, #tpu.dimension_semantics<subcore_parallel>], iteration_bounds = array<i64: 2, 16>, scalar_prefetch = 0 : i64, scratch_operands = 3 : i64, tpu.core_type = #tpu.core_type<sc_vector_subcore>, window_params = [{transform_indices = #map}, {transform_indices = #map1}, {transform_indices = #map2}]} {
    %mul3A = arith.constant 2 : i32
    %mul3A_0 = arith.muli %arg1, %mul3A : i32
    %add3A = arith.addi %mul3A_0, %arg0 : i32
    %jit3A = arith.constant 16 : i32
    %eq3A = arith.constant 0 : i32
    %eq3A_1 = arith.cmpi eq, %jit3A, %eq3A : i32
    %jit3A_2 = arith.constant 1 : i32
    %select_n3A = arith.select %eq3A_1, %jit3A_2, %jit3A : i32
    %rem3A = arith.remsi %add3A, %select_n3A : i32
    %ne3A = arith.constant 0 : i32
    %ne3A_3 = arith.cmpi ne, %rem3A, %ne3A : i32
    %lt3A = arith.constant 0 : i32
    %lt3A_4 = arith.cmpi slt, %rem3A, %lt3A : i32
    %lt3A_5 = arith.constant 0 : i32
    %lt3A_6 = arith.cmpi slt, %select_n3A, %lt3A_5 : i32
    %ne3A_7 = arith.xori %lt3A_4, %lt3A_6 : i1
    %and3A = arith.andi %ne3A_7, %ne3A_3 : i1
    %add3A_8 = arith.addi %rem3A, %select_n3A : i32
    %select_n3A_9 = arith.select %and3A, %add3A_8, %rem3A : i32
    %jit3A_10 = arith.constant 16 : i32
    %div3A = arith.divsi %add3A, %jit3A_10 : i32
    %sign3A = arith.constant 0 : i32
    %sign3A_11 = arith.cmpi sgt, %add3A, %sign3A : i32
    %sign3A_12 = arith.extui %sign3A_11 : i1 to i32
    %sign3A_13 = arith.constant 0 : i32
    %sign3A_14 = arith.cmpi slt, %add3A, %sign3A_13 : i32
    %sign3A_15 = arith.extui %sign3A_14 : i1 to i32
    %sign3A_16 = arith.subi %sign3A_12, %sign3A_15 : i32
    %sign3A_17 = arith.constant 0 : i32
    %sign3A_18 = arith.cmpi sgt, %jit3A_10, %sign3A_17 : i32
    %sign3A_19 = arith.extui %sign3A_18 : i1 to i32
    %sign3A_20 = arith.constant 0 : i32
    %sign3A_21 = arith.cmpi slt, %jit3A_10, %sign3A_20 : i32
    %sign3A_22 = arith.extui %sign3A_21 : i1 to i32
    %sign3A_23 = arith.subi %sign3A_19, %sign3A_22 : i32
    %ne3A_24 = arith.cmpi ne, %sign3A_16, %sign3A_23 : i32
    %rem3A_25 = arith.remsi %add3A, %jit3A_10 : i32
    %ne3A_26 = arith.constant 0 : i32
    %ne3A_27 = arith.cmpi ne, %rem3A_25, %ne3A_26 : i32
    %and3A_28 = arith.andi %ne3A_24, %ne3A_27 : i1
    %sub3A = arith.constant 1 : i32
    %sub3A_29 = arith.subi %div3A, %sub3A : i32
    %select_n3A_30 = arith.select %and3A_28, %sub3A_29, %div3A : i32
    %mul3A_31 = arith.constant 128 : i32
    %mul3A_32 = arith.muli %select_n3A_30, %mul3A_31 : i32
    %mul3A_33 = arith.constant 5 : i32
    %mul3A_34 = arith.muli %mul3A_33, %select_n3A_9 : i32
    %mul3A_35 = arith.constant 400 : i32
    %mul3A_36 = arith.muli %mul3A_34, %mul3A_35 : i32
    "tpu.region"() ({
      %run_scoped3A = tpu.sem_alloc : memref<!tpu.dma_semaphore, #tpu.memory_space<semaphore_mem>>
      %dma_start3A = tpu.memref_slice %arg3[%mul3A_36] : memref<50000xi32, #tpu.memory_space<hbm>> -> memref<2000xi32, #tpu.memory_space<hbm>>
      %dma_start3A_46 = tpu.memref_slice %arg3[%mul3A_36] : memref<50000xi32, #tpu.memory_space<hbm>> -> memref<2000xi32, #tpu.memory_space<hbm>>
      tpu.enqueue_dma source(%dma_start3A_46 : memref<2000xi32, #tpu.memory_space<hbm>>) target(%arg6 : memref<2000xi32, #tpu.memory_space<vmem>>) target_semaphore(%run_scoped3A : memref<!tpu.dma_semaphore, #tpu.memory_space<semaphore_mem>>)
      %dma_wait3A = tpu.memref_slice %arg3[%mul3A_36] : memref<50000xi32, #tpu.memory_space<hbm>> -> memref<2000xi32, #tpu.memory_space<hbm>>
      %dma_wait3A_47 = tpu.memref_slice %arg3[%mul3A_36] : memref<50000xi32, #tpu.memory_space<hbm>> -> memref<2000xi32, #tpu.memory_space<hbm>>
      tpu.wait_dma2 semaphore(%run_scoped3A : memref<!tpu.dma_semaphore, #tpu.memory_space<semaphore_mem>>) src(%dma_wait3A_47 : memref<2000xi32, #tpu.memory_space<hbm>>) dst(%arg6 : memref<2000xi32, #tpu.memory_space<vmem>>)
      tpu.yield
    }) : () -> ()
    %scan3A = arith.constant 0 : i32
    %scan3A_37 = arith.constant 512 : i32
    %scan3A_38 = arith.addi %scan3A, %scan3A_37 : i32
    %scan3A_39 = arith.constant 1 : i32
    scf.for %scan3A_46 = %scan3A to %scan3A_38 step %scan3A_39  : i32 {
      %mul3A_47 = arith.constant 1 : i32
      %mul3A_48 = arith.muli %scan3A_46, %mul3A_47 : i32
      %add3A_49 = arith.constant 0 : i32
      %add3A_50 = arith.addi %add3A_49, %mul3A_48 : i32
      %scan3A_51 = arith.constant 0 : i32
      %scan3A_52 = arith.constant 8 : i32
      %scan3A_53 = arith.addi %scan3A_51, %scan3A_52 : i32
      %scan3A_54 = arith.constant 1 : i32
      scf.for %scan3A_56 = %scan3A_51 to %scan3A_53 step %scan3A_54  : i32 {
        %mul3A_57 = arith.constant 16 : i32
        %mul3A_58 = arith.muli %scan3A_56, %mul3A_57 : i32
        %add3A_59 = arith.constant 0 : i32
        %add3A_60 = arith.addi %add3A_59, %mul3A_58 : i32
        %broadcast_in_dim3A = arith.constant 0.000000e+00 : f32
        %broadcast_in_dim3A_61 = vector.broadcast %broadcast_in_dim3A : f32 to vector<16xf32>
        %swap3A = arith.index_cast %add3A_50 : i32 to index
        %swap3A_62 = arith.index_cast %add3A_60 : i32 to index
        %swap3A_63 = tpu.vector_load %arg7[%swap3A, %swap3A_62] {strides = array<i32>} : memref<512x128xf32, #tpu.memory_space<vmem>>, vector<16xf32>,
        tpu.vector_store %arg7[%swap3A, %swap3A_62], %broadcast_in_dim3A_61 {strides = array<i32>} : memref<512x128xf32, #tpu.memory_space<vmem>>, vector<16xf32>,
      }
      %scan3A_55 = arith.constant 8 : i32
    }
    %scan3A_40 = arith.constant 512 : i32
    %iota3A = tpu.iota {dimensions = array<i32: 0>} : vector<16xi32>
    %scan3A_41 = arith.constant 0 : i32
    %scan3A_42 = arith.constant 5 : i32
    %scan3A_43 = arith.addi %scan3A_41, %scan3A_42 : i32
    %scan3A_44 = arith.constant 1 : i32
    scf.for %scan3A_46 = %scan3A_41 to %scan3A_43 step %scan3A_44  : i32 {
      %mul3A_47 = arith.constant 1 : i32
      %mul3A_48 = arith.muli %scan3A_46, %mul3A_47 : i32
      %add3A_49 = arith.constant 0 : i32
      %add3A_50 = arith.addi %add3A_49, %mul3A_48 : i32
      %add3A_51 = arith.addi %mul3A_34, %add3A_50 : i32
      %mul3A_52 = arith.constant 400 : i32
      %mul3A_53 = arith.muli %add3A_51, %mul3A_52 : i32
      "tpu.region"() ({
        %run_scoped3A = tpu.sem_alloc : memref<!tpu.dma_semaphore, #tpu.memory_space<semaphore_mem>>
        %dma_start3A = tpu.memref_slice %arg2[%mul3A_53, %mul3A_32] : memref<50000x256xf32, #tpu.memory_space<hbm>> -> memref<400x128xf32, #tpu.memory_space<hbm>>
        %dma_start3A_59 = tpu.memref_slice %arg2[%mul3A_53, %mul3A_32] : memref<50000x256xf32, #tpu.memory_space<hbm>> -> memref<400x128xf32, #tpu.memory_space<hbm>>
        tpu.enqueue_dma source(%dma_start3A_59 : memref<400x128xf32, #tpu.memory_space<hbm>>) target(%arg5 : memref<400x128xf32, #tpu.memory_space<vmem>>) target_semaphore(%run_scoped3A : memref<!tpu.dma_semaphore, #tpu.memory_space<semaphore_mem>>)
        %dma_wait3A = tpu.memref_slice %arg2[%mul3A_53, %mul3A_32] : memref<50000x256xf32, #tpu.memory_space<hbm>> -> memref<400x128xf32, #tpu.memory_space<hbm>>
        %dma_wait3A_60 = tpu.memref_slice %arg2[%mul3A_53, %mul3A_32] : memref<50000x256xf32, #tpu.memory_space<hbm>> -> memref<400x128xf32, #tpu.memory_space<hbm>>
        tpu.wait_dma2 semaphore(%run_scoped3A : memref<!tpu.dma_semaphore, #tpu.memory_space<semaphore_mem>>) src(%dma_wait3A_60 : memref<400x128xf32, #tpu.memory_space<hbm>>) dst(%arg5 : memref<400x128xf32, #tpu.memory_space<vmem>>)
        tpu.yield
      }) : () -> ()
      %scan3A_54 = arith.constant 0 : i32
      %scan3A_55 = arith.constant 25 : i32
      %scan3A_56 = arith.addi %scan3A_54, %scan3A_55 : i32
      %scan3A_57 = arith.constant 1 : i32
      scf.for %scan3A_59 = %scan3A_54 to %scan3A_56 step %scan3A_57  : i32 {
        %mul3A_60 = arith.constant 16 : i32
        %mul3A_61 = arith.muli %scan3A_59, %mul3A_60 : i32
        %add3A_62 = arith.constant 0 : i32
        %add3A_63 = arith.addi %add3A_62, %mul3A_61 : i32
        %mul3A_64 = arith.constant 400 : i32
        %mul3A_65 = arith.muli %add3A_50, %mul3A_64 : i32
        %add3A_66 = arith.addi %mul3A_65, %add3A_63 : i32
        %get3A = arith.index_cast %add3A_66 : i32 to index
        %get3A_67 = tpu.vector_load %arg6[%get3A] {strides = array<i32>} : memref<2000xi32, #tpu.memory_space<vmem>>, vector<16xi32>,
        %slice3A = vector.extract_strided_slice %get3A_67 {offsets = [0], sizes = [1], strides = [1]} : vector<16xi32> to vector<1xi32>
        %squeeze3A = vector.extract %slice3A[0] : i32 from vector<1xi32>
        %broadcast_in_dim3A = vector.broadcast %squeeze3A : i32 to vector<16xi32>
        %add3A_68 = arith.constant 0 : i32
        %add3A_69 = arith.addi %add3A_63, %add3A_68 : i32
        %get3A_70 = arith.index_cast %add3A_69 : i32 to index
        %get3A_71 = arith.constant 0 : index
        %get3A_72 = tpu.vector_load %arg5[%get3A_70, %get3A_71] {strides = array<i32>} : memref<400x128xf32, #tpu.memory_space<vmem>>, vector<16xf32>,
        %add3A_73 = arith.constant 0 : i32
        %add3A_74 = arith.addi %add3A_63, %add3A_73 : i32
        %get3A_75 = arith.index_cast %add3A_74 : i32 to index
        %get3A_76 = arith.constant 16 : index
        %get3A_77 = tpu.vector_load %arg5[%get3A_75, %get3A_76] {strides = array<i32>} : memref<400x128xf32, #tpu.memory_space<vmem>>, vector<16xf32>,
        %add3A_78 = arith.constant 0 : i32
        %add3A_79 = arith.addi %add3A_63, %add3A_78 : i32
        %get3A_80 = arith.index_cast %add3A_79 : i32 to index
        %get3A_81 = arith.constant 32 : index
        %get3A_82 = tpu.vector_load %arg5[%get3A_80, %get3A_81] {strides = array<i32>} : memref<400x128xf32, #tpu.memory_space<vmem>>, vector<16xf32>,
        %add3A_83 = arith.constant 0 : i32
        %add3A_84 = arith.addi %add3A_63, %add3A_83 : i32
        %get3A_85 = arith.index_cast %add3A_84 : i32 to index
        %get3A_86 = arith.constant 48 : index
        %get3A_87 = tpu.vector_load %arg5[%get3A_85, %get3A_86] {strides = array<i32>} : memref<400x128xf32, #tpu.memory_space<vmem>>, vector<16xf32>,
        %add3A_88 = arith.constant 0 : i32
        %add3A_89 = arith.addi %add3A_63, %add3A_88 : i32
        %get3A_90 = arith.index_cast %add3A_89 : i32 to index
        %get3A_91 = arith.constant 64 : index
        %get3A_92 = tpu.vector_load %arg5[%get3A_90, %get3A_91] {strides = array<i32>} : memref<400x128xf32, #tpu.memory_space<vmem>>, vector<16xf32>,
        %add3A_93 = arith.constant 0 : i32
        %add3A_94 = arith.addi %add3A_63, %add3A_93 : i32
        %get3A_95 = arith.index_cast %add3A_94 : i32 to index
        %get3A_96 = arith.constant 80 : index
        %get3A_97 = tpu.vector_load %arg5[%get3A_95, %get3A_96] {strides = array<i32>} : memref<400x128xf32, #tpu.memory_space<vmem>>, vector<16xf32>,
        %add3A_98 = arith.constant 0 : i32
        %add3A_99 = arith.addi %add3A_63, %add3A_98 : i32
        %get3A_100 = arith.index_cast %add3A_99 : i32 to index
        %get3A_101 = arith.constant 96 : index
        %get3A_102 = tpu.vector_load %arg5[%get3A_100, %get3A_101] {strides = array<i32>} : memref<400x128xf32, #tpu.memory_space<vmem>>, vector<16xf32>,
        %add3A_103 = arith.constant 0 : i32
        %add3A_104 = arith.addi %add3A_63, %add3A_103 : i32
        %get3A_105 = arith.index_cast %add3A_104 : i32 to index
        %get3A_106 = arith.constant 112 : index
        %get3A_107 = tpu.vector_load %arg5[%get3A_105, %get3A_106] {strides = array<i32>} : memref<400x128xf32, #tpu.memory_space<vmem>>, vector<16xf32>,
        %add3A_108 = arith.constant 0 : i32
        %add3A_109 = vector.broadcast %add3A_108 : i32 to vector<16xi32>
        %add3A_110 = arith.addi %iota3A, %add3A_109 : vector<16xi32>
        tpu.vector_store_idx %arg7[%broadcast_in_dim3A, %add3A_110], %get3A_72 {add = true} : memref<512x128xf32, #tpu.memory_space<vmem>>[vector<16xi32>, vector<16xi32>], vector<16xf32>,
        %add3A_111 = arith.constant 16 : i32
        %add3A_112 = vector.broadcast %add3A_111 : i32 to vector<16xi32>
        %add3A_113 = arith.addi %iota3A, %add3A_112 : vector<16xi32>
        tpu.vector_store_idx %arg7[%broadcast_in_dim3A, %add3A_113], %get3A_77 {add = true} : memref<512x128xf32, #tpu.memory_space<vmem>>[vector<16xi32>, vector<16xi32>], vector<16xf32>,
        %add3A_114 = arith.constant 32 : i32
        %add3A_115 = vector.broadcast %add3A_114 : i32 to vector<16xi32>
        %add3A_116 = arith.addi %iota3A, %add3A_115 : vector<16xi32>
        tpu.vector_store_idx %arg7[%broadcast_in_dim3A, %add3A_116], %get3A_82 {add = true} : memref<512x128xf32, #tpu.memory_space<vmem>>[vector<16xi32>, vector<16xi32>], vector<16xf32>,
        %add3A_117 = arith.constant 48 : i32
        %add3A_118 = vector.broadcast %add3A_117 : i32 to vector<16xi32>
        %add3A_119 = arith.addi %iota3A, %add3A_118 : vector<16xi32>
        tpu.vector_store_idx %arg7[%broadcast_in_dim3A, %add3A_119], %get3A_87 {add = true} : memref<512x128xf32, #tpu.memory_space<vmem>>[vector<16xi32>, vector<16xi32>], vector<16xf32>,
        %add3A_120 = arith.constant 64 : i32
        %add3A_121 = vector.broadcast %add3A_120 : i32 to vector<16xi32>
        %add3A_122 = arith.addi %iota3A, %add3A_121 : vector<16xi32>
        tpu.vector_store_idx %arg7[%broadcast_in_dim3A, %add3A_122], %get3A_92 {add = true} : memref<512x128xf32, #tpu.memory_space<vmem>>[vector<16xi32>, vector<16xi32>], vector<16xf32>,
        %add3A_123 = arith.constant 80 : i32
        %add3A_124 = vector.broadcast %add3A_123 : i32 to vector<16xi32>
        %add3A_125 = arith.addi %iota3A, %add3A_124 : vector<16xi32>
        tpu.vector_store_idx %arg7[%broadcast_in_dim3A, %add3A_125], %get3A_97 {add = true} : memref<512x128xf32, #tpu.memory_space<vmem>>[vector<16xi32>, vector<16xi32>], vector<16xf32>,
        %add3A_126 = arith.constant 96 : i32
        %add3A_127 = vector.broadcast %add3A_126 : i32 to vector<16xi32>
        %add3A_128 = arith.addi %iota3A, %add3A_127 : vector<16xi32>
        tpu.vector_store_idx %arg7[%broadcast_in_dim3A, %add3A_128], %get3A_102 {add = true} : memref<512x128xf32, #tpu.memory_space<vmem>>[vector<16xi32>, vector<16xi32>], vector<16xf32>,
        %add3A_129 = arith.constant 112 : i32
        %add3A_130 = vector.broadcast %add3A_129 : i32 to vector<16xi32>
        %add3A_131 = arith.addi %iota3A, %add3A_130 : vector<16xi32>
        tpu.vector_store_idx %arg7[%broadcast_in_dim3A, %add3A_131], %get3A_107 {add = true} : memref<512x128xf32, #tpu.memory_space<vmem>>[vector<16xi32>, vector<16xi32>], vector<16xf32>,
        %slice3A_132 = vector.extract_strided_slice %get3A_67 {offsets = [1], sizes = [1], strides = [1]} : vector<16xi32> to vector<1xi32>
        %squeeze3A_133 = vector.extract %slice3A_132[0] : i32 from vector<1xi32>
        %broadcast_in_dim3A_134 = vector.broadcast %squeeze3A_133 : i32 to vector<16xi32>
        %add3A_135 = arith.constant 1 : i32
        %add3A_136 = arith.addi %add3A_63, %add3A_135 : i32
        %get3A_137 = arith.index_cast %add3A_136 : i32 to index
        %get3A_138 = arith.constant 0 : index
        %get3A_139 = tpu.vector_load %arg5[%get3A_137, %get3A_138] {strides = array<i32>} : memref<400x128xf32, #tpu.memory_space<vmem>>, vector<16xf32>,
        %add3A_140 = arith.constant 1 : i32
        %add3A_141 = arith.addi %add3A_63, %add3A_140 : i32
        %get3A_142 = arith.index_cast %add3A_141 : i32 to index
        %get3A_143 = arith.constant 16 : index
        %get3A_144 = tpu.vector_load %arg5[%get3A_142, %get3A_143] {strides = array<i32>} : memref<400x128xf32, #tpu.memory_space<vmem>>, vector<16xf32>,
        %add3A_145 = arith.constant 1 : i32
        %add3A_146 = arith.addi %add3A_63, %add3A_145 : i32
        %get3A_147 = arith.index_cast %add3A_146 : i32 to index
        %get3A_148 = arith.constant 32 : index
        %get3A_149 = tpu.vector_load %arg5[%get3A_147, %get3A_148] {strides = array<i32>} : memref<400x128xf32, #tpu.memory_space<vmem>>, vector<16xf32>,
        %add3A_150 = arith.constant 1 : i32
        %add3A_151 = arith.addi %add3A_63, %add3A_150 : i32
        %get3A_152 = arith.index_cast %add3A_151 : i32 to index
        %get3A_153 = arith.constant 48 : index
        %get3A_154 = tpu.vector_load %arg5[%get3A_152, %get3A_153] {strides = array<i32>} : memref<400x128xf32, #tpu.memory_space<vmem>>, vector<16xf32>,
        %add3A_155 = arith.constant 1 : i32
        %add3A_156 = arith.addi %add3A_63, %add3A_155 : i32
        %get3A_157 = arith.index_cast %add3A_156 : i32 to index
        %get3A_158 = arith.constant 64 : index
        %get3A_159 = tpu.vector_load %arg5[%get3A_157, %get3A_158] {strides = array<i32>} : memref<400x128xf32, #tpu.memory_space<vmem>>, vector<16xf32>,
        %add3A_160 = arith.constant 1 : i32
        %add3A_161 = arith.addi %add3A_63, %add3A_160 : i32
        %get3A_162 = arith.index_cast %add3A_161 : i32 to index
        %get3A_163 = arith.constant 80 : index
        %get3A_164 = tpu.vector_load %arg5[%get3A_162, %get3A_163] {strides = array<i32>} : memref<400x128xf32, #tpu.memory_space<vmem>>, vector<16xf32>,
        %add3A_165 = arith.constant 1 : i32
        %add3A_166 = arith.addi %add3A_63, %add3A_165 : i32
        %get3A_167 = arith.index_cast %add3A_166 : i32 to index
        %get3A_168 = arith.constant 96 : index
        %get3A_169 = tpu.vector_load %arg5[%get3A_167, %get3A_168] {strides = array<i32>} : memref<400x128xf32, #tpu.memory_space<vmem>>, vector<16xf32>,
        %add3A_170 = arith.constant 1 : i32
        %add3A_171 = arith.addi %add3A_63, %add3A_170 : i32
        %get3A_172 = arith.index_cast %add3A_171 : i32 to index
        %get3A_173 = arith.constant 112 : index
        %get3A_174 = tpu.vector_load %arg5[%get3A_172, %get3A_173] {strides = array<i32>} : memref<400x128xf32, #tpu.memory_space<vmem>>, vector<16xf32>,
        %add3A_175 = arith.constant 0 : i32
        %add3A_176 = vector.broadcast %add3A_175 : i32 to vector<16xi32>
        %add3A_177 = arith.addi %iota3A, %add3A_176 : vector<16xi32>
        tpu.vector_store_idx %arg7[%broadcast_in_dim3A_134, %add3A_177], %get3A_139 {add = true} : memref<512x128xf32, #tpu.memory_space<vmem>>[vector<16xi32>, vector<16xi32>], vector<16xf32>,
        %add3A_178 = arith.constant 16 : i32
        %add3A_179 = vector.broadcast %add3A_178 : i32 to vector<16xi32>
        %add3A_180 = arith.addi %iota3A, %add3A_179 : vector<16xi32>
        tpu.vector_store_idx %arg7[%broadcast_in_dim3A_134, %add3A_180], %get3A_144 {add = true} : memref<512x128xf32, #tpu.memory_space<vmem>>[vector<16xi32>, vector<16xi32>], vector<16xf32>,
        %add3A_181 = arith.constant 32 : i32
        %add3A_182 = vector.broadcast %add3A_181 : i32 to vector<16xi32>
        %add3A_183 = arith.addi %iota3A, %add3A_182 : vector<16xi32>
        tpu.vector_store_idx %arg7[%broadcast_in_dim3A_134, %add3A_183], %get3A_149 {add = true} : memref<512x128xf32, #tpu.memory_space<vmem>>[vector<16xi32>, vector<16xi32>], vector<16xf32>,
        %add3A_184 = arith.constant 48 : i32
        %add3A_185 = vector.broadcast %add3A_184 : i32 to vector<16xi32>
        %add3A_186 = arith.addi %iota3A, %add3A_185 : vector<16xi32>
        tpu.vector_store_idx %arg7[%broadcast_in_dim3A_134, %add3A_186], %get3A_154 {add = true} : memref<512x128xf32, #tpu.memory_space<vmem>>[vector<16xi32>, vector<16xi32>], vector<16xf32>,
        %add3A_187 = arith.constant 64 : i32
        %add3A_188 = vector.broadcast %add3A_187 : i32 to vector<16xi32>
        %add3A_189 = arith.addi %iota3A, %add3A_188 : vector<16xi32>
        tpu.vector_store_idx %arg7[%broadcast_in_dim3A_134, %add3A_189], %get3A_159 {add = true} : memref<512x128xf32, #tpu.memory_space<vmem>>[vector<16xi32>, vector<16xi32>], vector<16xf32>,
        %add3A_190 = arith.constant 80 : i32
        %add3A_191 = vector.broadcast %add3A_190 : i32 to vector<16xi32>
        %add3A_192 = arith.addi %iota3A, %add3A_191 : vector<16xi32>
        tpu.vector_store_idx %arg7[%broadcast_in_dim3A_134, %add3A_192], %get3A_164 {add = true} : memref<512x128xf32, #tpu.memory_space<vmem>>[vector<16xi32>, vector<16xi32>], vector<16xf32>,
        %add3A_193 = arith.constant 96 : i32
        %add3A_194 = vector.broadcast %add3A_193 : i32 to vector<16xi32>
        %add3A_195 = arith.addi %iota3A, %add3A_194 : vector<16xi32>
        tpu.vector_store_idx %arg7[%broadcast_in_dim3A_134, %add3A_195], %get3A_169 {add = true} : memref<512x128xf32, #tpu.memory_space<vmem>>[vector<16xi32>, vector<16xi32>], vector<16xf32>,
        %add3A_196 = arith.constant 112 : i32
        %add3A_197 = vector.broadcast %add3A_196 : i32 to vector<16xi32>
        %add3A_198 = arith.addi %iota3A, %add3A_197 : vector<16xi32>
        tpu.vector_store_idx %arg7[%broadcast_in_dim3A_134, %add3A_198], %get3A_174 {add = true} : memref<512x128xf32, #tpu.memory_space<vmem>>[vector<16xi32>, vector<16xi32>], vector<16xf32>,
        %slice3A_199 = vector.extract_strided_slice %get3A_67 {offsets = [2], sizes = [1], strides = [1]} : vector<16xi32> to vector<1xi32>
        %squeeze3A_200 = vector.extract %slice3A_199[0] : i32 from vector<1xi32>
        %broadcast_in_dim3A_201 = vector.broadcast %squeeze3A_200 : i32 to vector<16xi32>
        %add3A_202 = arith.constant 2 : i32
        %add3A_203 = arith.addi %add3A_63, %add3A_202 : i32
        %get3A_204 = arith.index_cast %add3A_203 : i32 to index
        %get3A_205 = arith.constant 0 : index
        %get3A_206 = tpu.vector_load %arg5[%get3A_204, %get3A_205] {strides = array<i32>} : memref<400x128xf32, #tpu.memory_space<vmem>>, vector<16xf32>,
        %add3A_207 = arith.constant 2 : i32
        %add3A_208 = arith.addi %add3A_63, %add3A_207 : i32
        %get3A_209 = arith.index_cast %add3A_208 : i32 to index
        %get3A_210 = arith.constant 16 : index
        %get3A_211 = tpu.vector_load %arg5[%get3A_209, %get3A_210] {strides = array<i32>} : memref<400x128xf32, #tpu.memory_space<vmem>>, vector<16xf32>,
        %add3A_212 = arith.constant 2 : i32
        %add3A_213 = arith.addi %add3A_63, %add3A_212 : i32
        %get3A_214 = arith.index_cast %add3A_213 : i32 to index
        %get3A_215 = arith.constant 32 : index
        %get3A_216 = tpu.vector_load %arg5[%get3A_214, %get3A_215] {strides = array<i32>} : memref<400x128xf32, #tpu.memory_space<vmem>>, vector<16xf32>,
        %add3A_217 = arith.constant 2 : i32
        %add3A_218 = arith.addi %add3A_63, %add3A_217 : i32
        %get3A_219 = arith.index_cast %add3A_218 : i32 to index
        %get3A_220 = arith.constant 48 : index
        %get3A_221 = tpu.vector_load %arg5[%get3A_219, %get3A_220] {strides = array<i32>} : memref<400x128xf32, #tpu.memory_space<vmem>>, vector<16xf32>,
        %add3A_222 = arith.constant 2 : i32
        %add3A_223 = arith.addi %add3A_63, %add3A_222 : i32
        %get3A_224 = arith.index_cast %add3A_223 : i32 to index
        %get3A_225 = arith.constant 64 : index
        %get3A_226 = tpu.vector_load %arg5[%get3A_224, %get3A_225] {strides = array<i32>} : memref<400x128xf32, #tpu.memory_space<vmem>>, vector<16xf32>,
        %add3A_227 = arith.constant 2 : i32
        %add3A_228 = arith.addi %add3A_63, %add3A_227 : i32
        %get3A_229 = arith.index_cast %add3A_228 : i32 to index
        %get3A_230 = arith.constant 80 : index
        %get3A_231 = tpu.vector_load %arg5[%get3A_229, %get3A_230] {strides = array<i32>} : memref<400x128xf32, #tpu.memory_space<vmem>>, vector<16xf32>,
        %add3A_232 = arith.constant 2 : i32
        %add3A_233 = arith.addi %add3A_63, %add3A_232 : i32
        %get3A_234 = arith.index_cast %add3A_233 : i32 to index
        %get3A_235 = arith.constant 96 : index
        %get3A_236 = tpu.vector_load %arg5[%get3A_234, %get3A_235] {strides = array<i32>} : memref<400x128xf32, #tpu.memory_space<vmem>>, vector<16xf32>,
        %add3A_237 = arith.constant 2 : i32
        %add3A_238 = arith.addi %add3A_63, %add3A_237 : i32
        %get3A_239 = arith.index_cast %add3A_238 : i32 to index
        %get3A_240 = arith.constant 112 : index
        %get3A_241 = tpu.vector_load %arg5[%get3A_239, %get3A_240] {strides = array<i32>} : memref<400x128xf32, #tpu.memory_space<vmem>>, vector<16xf32>,
        %add3A_242 = arith.constant 0 : i32
        %add3A_243 = vector.broadcast %add3A_242 : i32 to vector<16xi32>
        %add3A_244 = arith.addi %iota3A, %add3A_243 : vector<16xi32>
        tpu.vector_store_idx %arg7[%broadcast_in_dim3A_201, %add3A_244], %get3A_206 {add = true} : memref<512x128xf32, #tpu.memory_space<vmem>>[vector<16xi32>, vector<16xi32>], vector<16xf32>,
        %add3A_245 = arith.constant 16 : i32
        %add3A_246 = vector.broadcast %add3A_245 : i32 to vector<16xi32>
        %add3A_247 = arith.addi %iota3A, %add3A_246 : vector<16xi32>
        tpu.vector_store_idx %arg7[%broadcast_in_dim3A_201, %add3A_247], %get3A_211 {add = true} : memref<512x128xf32, #tpu.memory_space<vmem>>[vector<16xi32>, vector<16xi32>], vector<16xf32>,
        %add3A_248 = arith.constant 32 : i32
        %add3A_249 = vector.broadcast %add3A_248 : i32 to vector<16xi32>
        %add3A_250 = arith.addi %iota3A, %add3A_249 : vector<16xi32>
        tpu.vector_store_idx %arg7[%broadcast_in_dim3A_201, %add3A_250], %get3A_216 {add = true} : memref<512x128xf32, #tpu.memory_space<vmem>>[vector<16xi32>, vector<16xi32>], vector<16xf32>,
        %add3A_251 = arith.constant 48 : i32
        %add3A_252 = vector.broadcast %add3A_251 : i32 to vector<16xi32>
        %add3A_253 = arith.addi %iota3A, %add3A_252 : vector<16xi32>
        tpu.vector_store_idx %arg7[%broadcast_in_dim3A_201, %add3A_253], %get3A_221 {add = true} : memref<512x128xf32, #tpu.memory_space<vmem>>[vector<16xi32>, vector<16xi32>], vector<16xf32>,
        %add3A_254 = arith.constant 64 : i32
        %add3A_255 = vector.broadcast %add3A_254 : i32 to vector<16xi32>
        %add3A_256 = arith.addi %iota3A, %add3A_255 : vector<16xi32>
        tpu.vector_store_idx %arg7[%broadcast_in_dim3A_201, %add3A_256], %get3A_226 {add = true} : memref<512x128xf32, #tpu.memory_space<vmem>>[vector<16xi32>, vector<16xi32>], vector<16xf32>,
        %add3A_257 = arith.constant 80 : i32
        %add3A_258 = vector.broadcast %add3A_257 : i32 to vector<16xi32>
        %add3A_259 = arith.addi %iota3A, %add3A_258 : vector<16xi32>
        tpu.vector_store_idx %arg7[%broadcast_in_dim3A_201, %add3A_259], %get3A_231 {add = true} : memref<512x128xf32, #tpu.memory_space<vmem>>[vector<16xi32>, vector<16xi32>], vector<16xf32>,
        %add3A_260 = arith.constant 96 : i32
        %add3A_261 = vector.broadcast %add3A_260 : i32 to vector<16xi32>
        %add3A_262 = arith.addi %iota3A, %add3A_261 : vector<16xi32>
        tpu.vector_store_idx %arg7[%broadcast_in_dim3A_201, %add3A_262], %get3A_236 {add = true} : memref<512x128xf32, #tpu.memory_space<vmem>>[vector<16xi32>, vector<16xi32>], vector<16xf32>,
        %add3A_263 = arith.constant 112 : i32
        %add3A_264 = vector.broadcast %add3A_263 : i32 to vector<16xi32>
        %add3A_265 = arith.addi %iota3A, %add3A_264 : vector<16xi32>
        tpu.vector_store_idx %arg7[%broadcast_in_dim3A_201, %add3A_265], %get3A_241 {add = true} : memref<512x128xf32, #tpu.memory_space<vmem>>[vector<16xi32>, vector<16xi32>], vector<16xf32>,
        %slice3A_266 = vector.extract_strided_slice %get3A_67 {offsets = [3], sizes = [1], strides = [1]} : vector<16xi32> to vector<1xi32>
        %squeeze3A_267 = vector.extract %slice3A_266[0] : i32 from vector<1xi32>
        %broadcast_in_dim3A_268 = vector.broadcast %squeeze3A_267 : i32 to vector<16xi32>
        %add3A_269 = arith.constant 3 : i32
        %add3A_270 = arith.addi %add3A_63, %add3A_269 : i32
        %get3A_271 = arith.index_cast %add3A_270 : i32 to index
        %get3A_272 = arith.constant 0 : index
        %get3A_273 = tpu.vector_load %arg5[%get3A_271, %get3A_272] {strides = array<i32>} : memref<400x128xf32, #tpu.memory_space<vmem>>, vector<16xf32>,
        %add3A_274 = arith.constant 3 : i32
        %add3A_275 = arith.addi %add3A_63, %add3A_274 : i32
        %get3A_276 = arith.index_cast %add3A_275 : i32 to index
        %get3A_277 = arith.constant 16 : index
        %get3A_278 = tpu.vector_load %arg5[%get3A_276, %get3A_277] {strides = array<i32>} : memref<400x128xf32, #tpu.memory_space<vmem>>, vector<16xf32>,
        %add3A_279 = arith.constant 3 : i32
        %add3A_280 = arith.addi %add3A_63, %add3A_279 : i32
        %get3A_281 = arith.index_cast %add3A_280 : i32 to index
        %get3A_282 = arith.constant 32 : index
        %get3A_283 = tpu.vector_load %arg5[%get3A_281, %get3A_282] {strides = array<i32>} : memref<400x128xf32, #tpu.memory_space<vmem>>, vector<16xf32>,
        %add3A_284 = arith.constant 3 : i32
        %add3A_285 = arith.addi %add3A_63, %add3A_284 : i32
        %get3A_286 = arith.index_cast %add3A_285 : i32 to index
        %get3A_287 = arith.constant 48 : index
        %get3A_288 = tpu.vector_load %arg5[%get3A_286, %get3A_287] {strides = array<i32>} : memref<400x128xf32, #tpu.memory_space<vmem>>, vector<16xf32>,
        %add3A_289 = arith.constant 3 : i32
        %add3A_290 = arith.addi %add3A_63, %add3A_289 : i32
        %get3A_291 = arith.index_cast %add3A_290 : i32 to index
        %get3A_292 = arith.constant 64 : index
        %get3A_293 = tpu.vector_load %arg5[%get3A_291, %get3A_292] {strides = array<i32>} : memref<400x128xf32, #tpu.memory_space<vmem>>, vector<16xf32>,
        %add3A_294 = arith.constant 3 : i32
        %add3A_295 = arith.addi %add3A_63, %add3A_294 : i32
        %get3A_296 = arith.index_cast %add3A_295 : i32 to index
        %get3A_297 = arith.constant 80 : index
        %get3A_298 = tpu.vector_load %arg5[%get3A_296, %get3A_297] {strides = array<i32>} : memref<400x128xf32, #tpu.memory_space<vmem>>, vector<16xf32>,
        %add3A_299 = arith.constant 3 : i32
        %add3A_300 = arith.addi %add3A_63, %add3A_299 : i32
        %get3A_301 = arith.index_cast %add3A_300 : i32 to index
        %get3A_302 = arith.constant 96 : index
        %get3A_303 = tpu.vector_load %arg5[%get3A_301, %get3A_302] {strides = array<i32>} : memref<400x128xf32, #tpu.memory_space<vmem>>, vector<16xf32>,
        %add3A_304 = arith.constant 3 : i32
        %add3A_305 = arith.addi %add3A_63, %add3A_304 : i32
        %get3A_306 = arith.index_cast %add3A_305 : i32 to index
        %get3A_307 = arith.constant 112 : index
        %get3A_308 = tpu.vector_load %arg5[%get3A_306, %get3A_307] {strides = array<i32>} : memref<400x128xf32, #tpu.memory_space<vmem>>, vector<16xf32>,
        %add3A_309 = arith.constant 0 : i32
        %add3A_310 = vector.broadcast %add3A_309 : i32 to vector<16xi32>
        %add3A_311 = arith.addi %iota3A, %add3A_310 : vector<16xi32>
        tpu.vector_store_idx %arg7[%broadcast_in_dim3A_268, %add3A_311], %get3A_273 {add = true} : memref<512x128xf32, #tpu.memory_space<vmem>>[vector<16xi32>, vector<16xi32>], vector<16xf32>,
        %add3A_312 = arith.constant 16 : i32
        %add3A_313 = vector.broadcast %add3A_312 : i32 to vector<16xi32>
        %add3A_314 = arith.addi %iota3A, %add3A_313 : vector<16xi32>
        tpu.vector_store_idx %arg7[%broadcast_in_dim3A_268, %add3A_314], %get3A_278 {add = true} : memref<512x128xf32, #tpu.memory_space<vmem>>[vector<16xi32>, vector<16xi32>], vector<16xf32>,
        %add3A_315 = arith.constant 32 : i32
        %add3A_316 = vector.broadcast %add3A_315 : i32 to vector<16xi32>
        %add3A_317 = arith.addi %iota3A, %add3A_316 : vector<16xi32>
        tpu.vector_store_idx %arg7[%broadcast_in_dim3A_268, %add3A_317], %get3A_283 {add = true} : memref<512x128xf32, #tpu.memory_space<vmem>>[vector<16xi32>, vector<16xi32>], vector<16xf32>,
        %add3A_318 = arith.constant 48 : i32
        %add3A_319 = vector.broadcast %add3A_318 : i32 to vector<16xi32>
        %add3A_320 = arith.addi %iota3A, %add3A_319 : vector<16xi32>
        tpu.vector_store_idx %arg7[%broadcast_in_dim3A_268, %add3A_320], %get3A_288 {add = true} : memref<512x128xf32, #tpu.memory_space<vmem>>[vector<16xi32>, vector<16xi32>], vector<16xf32>,
        %add3A_321 = arith.constant 64 : i32
        %add3A_322 = vector.broadcast %add3A_321 : i32 to vector<16xi32>
        %add3A_323 = arith.addi %iota3A, %add3A_322 : vector<16xi32>
        tpu.vector_store_idx %arg7[%broadcast_in_dim3A_268, %add3A_323], %get3A_293 {add = true} : memref<512x128xf32, #tpu.memory_space<vmem>>[vector<16xi32>, vector<16xi32>], vector<16xf32>,
        %add3A_324 = arith.constant 80 : i32
        %add3A_325 = vector.broadcast %add3A_324 : i32 to vector<16xi32>
        %add3A_326 = arith.addi %iota3A, %add3A_325 : vector<16xi32>
        tpu.vector_store_idx %arg7[%broadcast_in_dim3A_268, %add3A_326], %get3A_298 {add = true} : memref<512x128xf32, #tpu.memory_space<vmem>>[vector<16xi32>, vector<16xi32>], vector<16xf32>,
        %add3A_327 = arith.constant 96 : i32
        %add3A_328 = vector.broadcast %add3A_327 : i32 to vector<16xi32>
        %add3A_329 = arith.addi %iota3A, %add3A_328 : vector<16xi32>
        tpu.vector_store_idx %arg7[%broadcast_in_dim3A_268, %add3A_329], %get3A_303 {add = true} : memref<512x128xf32, #tpu.memory_space<vmem>>[vector<16xi32>, vector<16xi32>], vector<16xf32>,
        %add3A_330 = arith.constant 112 : i32
        %add3A_331 = vector.broadcast %add3A_330 : i32 to vector<16xi32>
        %add3A_332 = arith.addi %iota3A, %add3A_331 : vector<16xi32>
        tpu.vector_store_idx %arg7[%broadcast_in_dim3A_268, %add3A_332], %get3A_308 {add = true} : memref<512x128xf32, #tpu.memory_space<vmem>>[vector<16xi32>, vector<16xi32>], vector<16xf32>,
        %slice3A_333 = vector.extract_strided_slice %get3A_67 {offsets = [4], sizes = [1], strides = [1]} : vector<16xi32> to vector<1xi32>
        %squeeze3A_334 = vector.extract %slice3A_333[0] : i32 from vector<1xi32>
        %broadcast_in_dim3A_335 = vector.broadcast %squeeze3A_334 : i32 to vector<16xi32>
        %add3A_336 = arith.constant 4 : i32
        %add3A_337 = arith.addi %add3A_63, %add3A_336 : i32
        %get3A_338 = arith.index_cast %add3A_337 : i32 to index
        %get3A_339 = arith.constant 0 : index
        %get3A_340 = tpu.vector_load %arg5[%get3A_338, %get3A_339] {strides = array<i32>} : memref<400x128xf32, #tpu.memory_space<vmem>>, vector<16xf32>,
        %add3A_341 = arith.constant 4 : i32
        %add3A_342 = arith.addi %add3A_63, %add3A_341 : i32
        %get3A_343 = arith.index_cast %add3A_342 : i32 to index
        %get3A_344 = arith.constant 16 : index
        %get3A_345 = tpu.vector_load %arg5[%get3A_343, %get3A_344] {strides = array<i32>} : memref<400x128xf32, #tpu.memory_space<vmem>>, vector<16xf32>,
        %add3A_346 = arith.constant 4 : i32
        %add3A_347 = arith.addi %add3A_63, %add3A_346 : i32
        %get3A_348 = arith.index_cast %add3A_347 : i32 to index
        %get3A_349 = arith.constant 32 : index
        %get3A_350 = tpu.vector_load %arg5[%get3A_348, %get3A_349] {strides = array<i32>} : memref<400x128xf32, #tpu.memory_space<vmem>>, vector<16xf32>,
        %add3A_351 = arith.constant 4 : i32
        %add3A_352 = arith.addi %add3A_63, %add3A_351 : i32
        %get3A_353 = arith.index_cast %add3A_352 : i32 to index
        %get3A_354 = arith.constant 48 : index
        %get3A_355 = tpu.vector_load %arg5[%get3A_353, %get3A_354] {strides = array<i32>} : memref<400x128xf32, #tpu.memory_space<vmem>>, vector<16xf32>,
        %add3A_356 = arith.constant 4 : i32
        %add3A_357 = arith.addi %add3A_63, %add3A_356 : i32
        %get3A_358 = arith.index_cast %add3A_357 : i32 to index
        %get3A_359 = arith.constant 64 : index
        %get3A_360 = tpu.vector_load %arg5[%get3A_358, %get3A_359] {strides = array<i32>} : memref<400x128xf32, #tpu.memory_space<vmem>>, vector<16xf32>,
        %add3A_361 = arith.constant 4 : i32
        %add3A_362 = arith.addi %add3A_63, %add3A_361 : i32
        %get3A_363 = arith.index_cast %add3A_362 : i32 to index
        %get3A_364 = arith.constant 80 : index
        %get3A_365 = tpu.vector_load %arg5[%get3A_363, %get3A_364] {strides = array<i32>} : memref<400x128xf32, #tpu.memory_space<vmem>>, vector<16xf32>,
        %add3A_366 = arith.constant 4 : i32
        %add3A_367 = arith.addi %add3A_63, %add3A_366 : i32
        %get3A_368 = arith.index_cast %add3A_367 : i32 to index
        %get3A_369 = arith.constant 96 : index
        %get3A_370 = tpu.vector_load %arg5[%get3A_368, %get3A_369] {strides = array<i32>} : memref<400x128xf32, #tpu.memory_space<vmem>>, vector<16xf32>,
        %add3A_371 = arith.constant 4 : i32
        %add3A_372 = arith.addi %add3A_63, %add3A_371 : i32
        %get3A_373 = arith.index_cast %add3A_372 : i32 to index
        %get3A_374 = arith.constant 112 : index
        %get3A_375 = tpu.vector_load %arg5[%get3A_373, %get3A_374] {strides = array<i32>} : memref<400x128xf32, #tpu.memory_space<vmem>>, vector<16xf32>,
        %add3A_376 = arith.constant 0 : i32
        %add3A_377 = vector.broadcast %add3A_376 : i32 to vector<16xi32>
        %add3A_378 = arith.addi %iota3A, %add3A_377 : vector<16xi32>
        tpu.vector_store_idx %arg7[%broadcast_in_dim3A_335, %add3A_378], %get3A_340 {add = true} : memref<512x128xf32, #tpu.memory_space<vmem>>[vector<16xi32>, vector<16xi32>], vector<16xf32>,
        %add3A_379 = arith.constant 16 : i32
        %add3A_380 = vector.broadcast %add3A_379 : i32 to vector<16xi32>
        %add3A_381 = arith.addi %iota3A, %add3A_380 : vector<16xi32>
        tpu.vector_store_idx %arg7[%broadcast_in_dim3A_335, %add3A_381], %get3A_345 {add = true} : memref<512x128xf32, #tpu.memory_space<vmem>>[vector<16xi32>, vector<16xi32>], vector<16xf32>,
        %add3A_382 = arith.constant 32 : i32
        %add3A_383 = vector.broadcast %add3A_382 : i32 to vector<16xi32>
        %add3A_384 = arith.addi %iota3A, %add3A_383 : vector<16xi32>
        tpu.vector_store_idx %arg7[%broadcast_in_dim3A_335, %add3A_384], %get3A_350 {add = true} : memref<512x128xf32, #tpu.memory_space<vmem>>[vector<16xi32>, vector<16xi32>], vector<16xf32>,
        %add3A_385 = arith.constant 48 : i32
        %add3A_386 = vector.broadcast %add3A_385 : i32 to vector<16xi32>
        %add3A_387 = arith.addi %iota3A, %add3A_386 : vector<16xi32>
        tpu.vector_store_idx %arg7[%broadcast_in_dim3A_335, %add3A_387], %get3A_355 {add = true} : memref<512x128xf32, #tpu.memory_space<vmem>>[vector<16xi32>, vector<16xi32>], vector<16xf32>,
        %add3A_388 = arith.constant 64 : i32
        %add3A_389 = vector.broadcast %add3A_388 : i32 to vector<16xi32>
        %add3A_390 = arith.addi %iota3A, %add3A_389 : vector<16xi32>
        tpu.vector_store_idx %arg7[%broadcast_in_dim3A_335, %add3A_390], %get3A_360 {add = true} : memref<512x128xf32, #tpu.memory_space<vmem>>[vector<16xi32>, vector<16xi32>], vector<16xf32>,
        %add3A_391 = arith.constant 80 : i32
        %add3A_392 = vector.broadcast %add3A_391 : i32 to vector<16xi32>
        %add3A_393 = arith.addi %iota3A, %add3A_392 : vector<16xi32>
        tpu.vector_store_idx %arg7[%broadcast_in_dim3A_335, %add3A_393], %get3A_365 {add = true} : memref<512x128xf32, #tpu.memory_space<vmem>>[vector<16xi32>, vector<16xi32>], vector<16xf32>,
        %add3A_394 = arith.constant 96 : i32
        %add3A_395 = vector.broadcast %add3A_394 : i32 to vector<16xi32>
        %add3A_396 = arith.addi %iota3A, %add3A_395 : vector<16xi32>
        tpu.vector_store_idx %arg7[%broadcast_in_dim3A_335, %add3A_396], %get3A_370 {add = true} : memref<512x128xf32, #tpu.memory_space<vmem>>[vector<16xi32>, vector<16xi32>], vector<16xf32>,
        %add3A_397 = arith.constant 112 : i32
        %add3A_398 = vector.broadcast %add3A_397 : i32 to vector<16xi32>
        %add3A_399 = arith.addi %iota3A, %add3A_398 : vector<16xi32>
        tpu.vector_store_idx %arg7[%broadcast_in_dim3A_335, %add3A_399], %get3A_375 {add = true} : memref<512x128xf32, #tpu.memory_space<vmem>>[vector<16xi32>, vector<16xi32>], vector<16xf32>,
        %slice3A_400 = vector.extract_strided_slice %get3A_67 {offsets = [5], sizes = [1], strides = [1]} : vector<16xi32> to vector<1xi32>
        %squeeze3A_401 = vector.extract %slice3A_400[0] : i32 from vector<1xi32>
        %broadcast_in_dim3A_402 = vector.broadcast %squeeze3A_401 : i32 to vector<16xi32>
        %add3A_403 = arith.constant 5 : i32
        %add3A_404 = arith.addi %add3A_63, %add3A_403 : i32
        %get3A_405 = arith.index_cast %add3A_404 : i32 to index
        %get3A_406 = arith.constant 0 : index
        %get3A_407 = tpu.vector_load %arg5[%get3A_405, %get3A_406] {strides = array<i32>} : memref<400x128xf32, #tpu.memory_space<vmem>>, vector<16xf32>,
        %add3A_408 = arith.constant 5 : i32
        %add3A_409 = arith.addi %add3A_63, %add3A_408 : i32
        %get3A_410 = arith.index_cast %add3A_409 : i32 to index
        %get3A_411 = arith.constant 16 : index
        %get3A_412 = tpu.vector_load %arg5[%get3A_410, %get3A_411] {strides = array<i32>} : memref<400x128xf32, #tpu.memory_space<vmem>>, vector<16xf32>,
        %add3A_413 = arith.constant 5 : i32
        %add3A_414 = arith.addi %add3A_63, %add3A_413 : i32
        %get3A_415 = arith.index_cast %add3A_414 : i32 to index
        %get3A_416 = arith.constant 32 : index
        %get3A_417 = tpu.vector_load %arg5[%get3A_415, %get3A_416] {strides = array<i32>} : memref<400x128xf32, #tpu.memory_space<vmem>>, vector<16xf32>,
        %add3A_418 = arith.constant 5 : i32
        %add3A_419 = arith.addi %add3A_63, %add3A_418 : i32
        %get3A_420 = arith.index_cast %add3A_419 : i32 to index
        %get3A_421 = arith.constant 48 : index
        %get3A_422 = tpu.vector_load %arg5[%get3A_420, %get3A_421] {strides = array<i32>} : memref<400x128xf32, #tpu.memory_space<vmem>>, vector<16xf32>,
        %add3A_423 = arith.constant 5 : i32
        %add3A_424 = arith.addi %add3A_63, %add3A_423 : i32
        %get3A_425 = arith.index_cast %add3A_424 : i32 to index
        %get3A_426 = arith.constant 64 : index
        %get3A_427 = tpu.vector_load %arg5[%get3A_425, %get3A_426] {strides = array<i32>} : memref<400x128xf32, #tpu.memory_space<vmem>>, vector<16xf32>,
        %add3A_428 = arith.constant 5 : i32
        %add3A_429 = arith.addi %add3A_63, %add3A_428 : i32
        %get3A_430 = arith.index_cast %add3A_429 : i32 to index
        %get3A_431 = arith.constant 80 : index
        %get3A_432 = tpu.vector_load %arg5[%get3A_430, %get3A_431] {strides = array<i32>} : memref<400x128xf32, #tpu.memory_space<vmem>>, vector<16xf32>,
        %add3A_433 = arith.constant 5 : i32
        %add3A_434 = arith.addi %add3A_63, %add3A_433 : i32
        %get3A_435 = arith.index_cast %add3A_434 : i32 to index
        %get3A_436 = arith.constant 96 : index
        %get3A_437 = tpu.vector_load %arg5[%get3A_435, %get3A_436] {strides = array<i32>} : memref<400x128xf32, #tpu.memory_space<vmem>>, vector<16xf32>,
        %add3A_438 = arith.constant 5 : i32
        %add3A_439 = arith.addi %add3A_63, %add3A_438 : i32
        %get3A_440 = arith.index_cast %add3A_439 : i32 to index
        %get3A_441 = arith.constant 112 : index
        %get3A_442 = tpu.vector_load %arg5[%get3A_440, %get3A_441] {strides = array<i32>} : memref<400x128xf32, #tpu.memory_space<vmem>>, vector<16xf32>,
        %add3A_443 = arith.constant 0 : i32
        %add3A_444 = vector.broadcast %add3A_443 : i32 to vector<16xi32>
        %add3A_445 = arith.addi %iota3A, %add3A_444 : vector<16xi32>
        tpu.vector_store_idx %arg7[%broadcast_in_dim3A_402, %add3A_445], %get3A_407 {add = true} : memref<512x128xf32, #tpu.memory_space<vmem>>[vector<16xi32>, vector<16xi32>], vector<16xf32>,
        %add3A_446 = arith.constant 16 : i32
        %add3A_447 = vector.broadcast %add3A_446 : i32 to vector<16xi32>
        %add3A_448 = arith.addi %iota3A, %add3A_447 : vector<16xi32>
        tpu.vector_store_idx %arg7[%broadcast_in_dim3A_402, %add3A_448], %get3A_412 {add = true} : memref<512x128xf32, #tpu.memory_space<vmem>>[vector<16xi32>, vector<16xi32>], vector<16xf32>,
        %add3A_449 = arith.constant 32 : i32
        %add3A_450 = vector.broadcast %add3A_449 : i32 to vector<16xi32>
        %add3A_451 = arith.addi %iota3A, %add3A_450 : vector<16xi32>
        tpu.vector_store_idx %arg7[%broadcast_in_dim3A_402, %add3A_451], %get3A_417 {add = true} : memref<512x128xf32, #tpu.memory_space<vmem>>[vector<16xi32>, vector<16xi32>], vector<16xf32>,
        %add3A_452 = arith.constant 48 : i32
        %add3A_453 = vector.broadcast %add3A_452 : i32 to vector<16xi32>
        %add3A_454 = arith.addi %iota3A, %add3A_453 : vector<16xi32>
        tpu.vector_store_idx %arg7[%broadcast_in_dim3A_402, %add3A_454], %get3A_422 {add = true} : memref<512x128xf32, #tpu.memory_space<vmem>>[vector<16xi32>, vector<16xi32>], vector<16xf32>,
        %add3A_455 = arith.constant 64 : i32
        %add3A_456 = vector.broadcast %add3A_455 : i32 to vector<16xi32>
        %add3A_457 = arith.addi %iota3A, %add3A_456 : vector<16xi32>
        tpu.vector_store_idx %arg7[%broadcast_in_dim3A_402, %add3A_457], %get3A_427 {add = true} : memref<512x128xf32, #tpu.memory_space<vmem>>[vector<16xi32>, vector<16xi32>], vector<16xf32>,
        %add3A_458 = arith.constant 80 : i32
        %add3A_459 = vector.broadcast %add3A_458 : i32 to vector<16xi32>
        %add3A_460 = arith.addi %iota3A, %add3A_459 : vector<16xi32>
        tpu.vector_store_idx %arg7[%broadcast_in_dim3A_402, %add3A_460], %get3A_432 {add = true} : memref<512x128xf32, #tpu.memory_space<vmem>>[vector<16xi32>, vector<16xi32>], vector<16xf32>,
        %add3A_461 = arith.constant 96 : i32
        %add3A_462 = vector.broadcast %add3A_461 : i32 to vector<16xi32>
        %add3A_463 = arith.addi %iota3A, %add3A_462 : vector<16xi32>
        tpu.vector_store_idx %arg7[%broadcast_in_dim3A_402, %add3A_463], %get3A_437 {add = true} : memref<512x128xf32, #tpu.memory_space<vmem>>[vector<16xi32>, vector<16xi32>], vector<16xf32>,
        %add3A_464 = arith.constant 112 : i32
        %add3A_465 = vector.broadcast %add3A_464 : i32 to vector<16xi32>
        %add3A_466 = arith.addi %iota3A, %add3A_465 : vector<16xi32>
        tpu.vector_store_idx %arg7[%broadcast_in_dim3A_402, %add3A_466], %get3A_442 {add = true} : memref<512x128xf32, #tpu.memory_space<vmem>>[vector<16xi32>, vector<16xi32>], vector<16xf32>,
        %slice3A_467 = vector.extract_strided_slice %get3A_67 {offsets = [6], sizes = [1], strides = [1]} : vector<16xi32> to vector<1xi32>
        %squeeze3A_468 = vector.extract %slice3A_467[0] : i32 from vector<1xi32>
        %broadcast_in_dim3A_469 = vector.broadcast %squeeze3A_468 : i32 to vector<16xi32>
        %add3A_470 = arith.constant 6 : i32
        %add3A_471 = arith.addi %add3A_63, %add3A_470 : i32
        %get3A_472 = arith.index_cast %add3A_471 : i32 to index
        %get3A_473 = arith.constant 0 : index
        %get3A_474 = tpu.vector_load %arg5[%get3A_472, %get3A_473] {strides = array<i32>} : memref<400x128xf32, #tpu.memory_space<vmem>>, vector<16xf32>,
        %add3A_475 = arith.constant 6 : i32
        %add3A_476 = arith.addi %add3A_63, %add3A_475 : i32
        %get3A_477 = arith.index_cast %add3A_476 : i32 to index
        %get3A_478 = arith.constant 16 : index
        %get3A_479 = tpu.vector_load %arg5[%get3A_477, %get3A_478] {strides = array<i32>} : memref<400x128xf32, #tpu.memory_space<vmem>>, vector<16xf32>,
        %add3A_480 = arith.constant 6 : i32
        %add3A_481 = arith.addi %add3A_63, %add3A_480 : i32
        %get3A_482 = arith.index_cast %add3A_481 : i32 to index
        %get3A_483 = arith.constant 32 : index
        %get3A_484 = tpu.vector_load %arg5[%get3A_482, %get3A_483] {strides = array<i32>} : memref<400x128xf32, #tpu.memory_space<vmem>>, vector<16xf32>,
        %add3A_485 = arith.constant 6 : i32
        %add3A_486 = arith.addi %add3A_63, %add3A_485 : i32
        %get3A_487 = arith.index_cast %add3A_486 : i32 to index
        %get3A_488 = arith.constant 48 : index
        %get3A_489 = tpu.vector_load %arg5[%get3A_487, %get3A_488] {strides = array<i32>} : memref<400x128xf32, #tpu.memory_space<vmem>>, vector<16xf32>,
        %add3A_490 = arith.constant 6 : i32
        %add3A_491 = arith.addi %add3A_63, %add3A_490 : i32
        %get3A_492 = arith.index_cast %add3A_491 : i32 to index
        %get3A_493 = arith.constant 64 : index
        %get3A_494 = tpu.vector_load %arg5[%get3A_492, %get3A_493] {strides = array<i32>} : memref<400x128xf32, #tpu.memory_space<vmem>>, vector<16xf32>,
        %add3A_495 = arith.constant 6 : i32
        %add3A_496 = arith.addi %add3A_63, %add3A_495 : i32
        %get3A_497 = arith.index_cast %add3A_496 : i32 to index
        %get3A_498 = arith.constant 80 : index
        %get3A_499 = tpu.vector_load %arg5[%get3A_497, %get3A_498] {strides = array<i32>} : memref<400x128xf32, #tpu.memory_space<vmem>>, vector<16xf32>,
        %add3A_500 = arith.constant 6 : i32
        %add3A_501 = arith.addi %add3A_63, %add3A_500 : i32
        %get3A_502 = arith.index_cast %add3A_501 : i32 to index
        %get3A_503 = arith.constant 96 : index
        %get3A_504 = tpu.vector_load %arg5[%get3A_502, %get3A_503] {strides = array<i32>} : memref<400x128xf32, #tpu.memory_space<vmem>>, vector<16xf32>,
        %add3A_505 = arith.constant 6 : i32
        %add3A_506 = arith.addi %add3A_63, %add3A_505 : i32
        %get3A_507 = arith.index_cast %add3A_506 : i32 to index
        %get3A_508 = arith.constant 112 : index
        %get3A_509 = tpu.vector_load %arg5[%get3A_507, %get3A_508] {strides = array<i32>} : memref<400x128xf32, #tpu.memory_space<vmem>>, vector<16xf32>,
        %add3A_510 = arith.constant 0 : i32
        %add3A_511 = vector.broadcast %add3A_510 : i32 to vector<16xi32>
        %add3A_512 = arith.addi %iota3A, %add3A_511 : vector<16xi32>
        tpu.vector_store_idx %arg7[%broadcast_in_dim3A_469, %add3A_512], %get3A_474 {add = true} : memref<512x128xf32, #tpu.memory_space<vmem>>[vector<16xi32>, vector<16xi32>], vector<16xf32>,
        %add3A_513 = arith.constant 16 : i32
        %add3A_514 = vector.broadcast %add3A_513 : i32 to vector<16xi32>
        %add3A_515 = arith.addi %iota3A, %add3A_514 : vector<16xi32>
        tpu.vector_store_idx %arg7[%broadcast_in_dim3A_469, %add3A_515], %get3A_479 {add = true} : memref<512x128xf32, #tpu.memory_space<vmem>>[vector<16xi32>, vector<16xi32>], vector<16xf32>,
        %add3A_516 = arith.constant 32 : i32
        %add3A_517 = vector.broadcast %add3A_516 : i32 to vector<16xi32>
        %add3A_518 = arith.addi %iota3A, %add3A_517 : vector<16xi32>
        tpu.vector_store_idx %arg7[%broadcast_in_dim3A_469, %add3A_518], %get3A_484 {add = true} : memref<512x128xf32, #tpu.memory_space<vmem>>[vector<16xi32>, vector<16xi32>], vector<16xf32>,
        %add3A_519 = arith.constant 48 : i32
        %add3A_520 = vector.broadcast %add3A_519 : i32 to vector<16xi32>
        %add3A_521 = arith.addi %iota3A, %add3A_520 : vector<16xi32>
        tpu.vector_store_idx %arg7[%broadcast_in_dim3A_469, %add3A_521], %get3A_489 {add = true} : memref<512x128xf32, #tpu.memory_space<vmem>>[vector<16xi32>, vector<16xi32>], vector<16xf32>,
        %add3A_522 = arith.constant 64 : i32
        %add3A_523 = vector.broadcast %add3A_522 : i32 to vector<16xi32>
        %add3A_524 = arith.addi %iota3A, %add3A_523 : vector<16xi32>
        tpu.vector_store_idx %arg7[%broadcast_in_dim3A_469, %add3A_524], %get3A_494 {add = true} : memref<512x128xf32, #tpu.memory_space<vmem>>[vector<16xi32>, vector<16xi32>], vector<16xf32>,
        %add3A_525 = arith.constant 80 : i32
        %add3A_526 = vector.broadcast %add3A_525 : i32 to vector<16xi32>
        %add3A_527 = arith.addi %iota3A, %add3A_526 : vector<16xi32>
        tpu.vector_store_idx %arg7[%broadcast_in_dim3A_469, %add3A_527], %get3A_499 {add = true} : memref<512x128xf32, #tpu.memory_space<vmem>>[vector<16xi32>, vector<16xi32>], vector<16xf32>,
        %add3A_528 = arith.constant 96 : i32
        %add3A_529 = vector.broadcast %add3A_528 : i32 to vector<16xi32>
        %add3A_530 = arith.addi %iota3A, %add3A_529 : vector<16xi32>
        tpu.vector_store_idx %arg7[%broadcast_in_dim3A_469, %add3A_530], %get3A_504 {add = true} : memref<512x128xf32, #tpu.memory_space<vmem>>[vector<16xi32>, vector<16xi32>], vector<16xf32>,
        %add3A_531 = arith.constant 112 : i32
        %add3A_532 = vector.broadcast %add3A_531 : i32 to vector<16xi32>
        %add3A_533 = arith.addi %iota3A, %add3A_532 : vector<16xi32>
        tpu.vector_store_idx %arg7[%broadcast_in_dim3A_469, %add3A_533], %get3A_509 {add = true} : memref<512x128xf32, #tpu.memory_space<vmem>>[vector<16xi32>, vector<16xi32>], vector<16xf32>,
        %slice3A_534 = vector.extract_strided_slice %get3A_67 {offsets = [7], sizes = [1], strides = [1]} : vector<16xi32> to vector<1xi32>
        %squeeze3A_535 = vector.extract %slice3A_534[0] : i32 from vector<1xi32>
        %broadcast_in_dim3A_536 = vector.broadcast %squeeze3A_535 : i32 to vector<16xi32>
        %add3A_537 = arith.constant 7 : i32
        %add3A_538 = arith.addi %add3A_63, %add3A_537 : i32
        %get3A_539 = arith.index_cast %add3A_538 : i32 to index
        %get3A_540 = arith.constant 0 : index
        %get3A_541 = tpu.vector_load %arg5[%get3A_539, %get3A_540] {strides = array<i32>} : memref<400x128xf32, #tpu.memory_space<vmem>>, vector<16xf32>,
        %add3A_542 = arith.constant 7 : i32
        %add3A_543 = arith.addi %add3A_63, %add3A_542 : i32
        %get3A_544 = arith.index_cast %add3A_543 : i32 to index
        %get3A_545 = arith.constant 16 : index
        %get3A_546 = tpu.vector_load %arg5[%get3A_544, %get3A_545] {strides = array<i32>} : memref<400x128xf32, #tpu.memory_space<vmem>>, vector<16xf32>,
        %add3A_547 = arith.constant 7 : i32
        %add3A_548 = arith.addi %add3A_63, %add3A_547 : i32
        %get3A_549 = arith.index_cast %add3A_548 : i32 to index
        %get3A_550 = arith.constant 32 : index
        %get3A_551 = tpu.vector_load %arg5[%get3A_549, %get3A_550] {strides = array<i32>} : memref<400x128xf32, #tpu.memory_space<vmem>>, vector<16xf32>,
        %add3A_552 = arith.constant 7 : i32
        %add3A_553 = arith.addi %add3A_63, %add3A_552 : i32
        %get3A_554 = arith.index_cast %add3A_553 : i32 to index
        %get3A_555 = arith.constant 48 : index
        %get3A_556 = tpu.vector_load %arg5[%get3A_554, %get3A_555] {strides = array<i32>} : memref<400x128xf32, #tpu.memory_space<vmem>>, vector<16xf32>,
        %add3A_557 = arith.constant 7 : i32
        %add3A_558 = arith.addi %add3A_63, %add3A_557 : i32
        %get3A_559 = arith.index_cast %add3A_558 : i32 to index
        %get3A_560 = arith.constant 64 : index
        %get3A_561 = tpu.vector_load %arg5[%get3A_559, %get3A_560] {strides = array<i32>} : memref<400x128xf32, #tpu.memory_space<vmem>>, vector<16xf32>,
        %add3A_562 = arith.constant 7 : i32
        %add3A_563 = arith.addi %add3A_63, %add3A_562 : i32
        %get3A_564 = arith.index_cast %add3A_563 : i32 to index
        %get3A_565 = arith.constant 80 : index
        %get3A_566 = tpu.vector_load %arg5[%get3A_564, %get3A_565] {strides = array<i32>} : memref<400x128xf32, #tpu.memory_space<vmem>>, vector<16xf32>,
        %add3A_567 = arith.constant 7 : i32
        %add3A_568 = arith.addi %add3A_63, %add3A_567 : i32
        %get3A_569 = arith.index_cast %add3A_568 : i32 to index
        %get3A_570 = arith.constant 96 : index
        %get3A_571 = tpu.vector_load %arg5[%get3A_569, %get3A_570] {strides = array<i32>} : memref<400x128xf32, #tpu.memory_space<vmem>>, vector<16xf32>,
        %add3A_572 = arith.constant 7 : i32
        %add3A_573 = arith.addi %add3A_63, %add3A_572 : i32
        %get3A_574 = arith.index_cast %add3A_573 : i32 to index
        %get3A_575 = arith.constant 112 : index
        %get3A_576 = tpu.vector_load %arg5[%get3A_574, %get3A_575] {strides = array<i32>} : memref<400x128xf32, #tpu.memory_space<vmem>>, vector<16xf32>,
        %add3A_577 = arith.constant 0 : i32
        %add3A_578 = vector.broadcast %add3A_577 : i32 to vector<16xi32>
        %add3A_579 = arith.addi %iota3A, %add3A_578 : vector<16xi32>
        tpu.vector_store_idx %arg7[%broadcast_in_dim3A_536, %add3A_579], %get3A_541 {add = true} : memref<512x128xf32, #tpu.memory_space<vmem>>[vector<16xi32>, vector<16xi32>], vector<16xf32>,
        %add3A_580 = arith.constant 16 : i32
        %add3A_581 = vector.broadcast %add3A_580 : i32 to vector<16xi32>
        %add3A_582 = arith.addi %iota3A, %add3A_581 : vector<16xi32>
        tpu.vector_store_idx %arg7[%broadcast_in_dim3A_536, %add3A_582], %get3A_546 {add = true} : memref<512x128xf32, #tpu.memory_space<vmem>>[vector<16xi32>, vector<16xi32>], vector<16xf32>,
        %add3A_583 = arith.constant 32 : i32
        %add3A_584 = vector.broadcast %add3A_583 : i32 to vector<16xi32>
        %add3A_585 = arith.addi %iota3A, %add3A_584 : vector<16xi32>
        tpu.vector_store_idx %arg7[%broadcast_in_dim3A_536, %add3A_585], %get3A_551 {add = true} : memref<512x128xf32, #tpu.memory_space<vmem>>[vector<16xi32>, vector<16xi32>], vector<16xf32>,
        %add3A_586 = arith.constant 48 : i32
        %add3A_587 = vector.broadcast %add3A_586 : i32 to vector<16xi32>
        %add3A_588 = arith.addi %iota3A, %add3A_587 : vector<16xi32>
        tpu.vector_store_idx %arg7[%broadcast_in_dim3A_536, %add3A_588], %get3A_556 {add = true} : memref<512x128xf32, #tpu.memory_space<vmem>>[vector<16xi32>, vector<16xi32>], vector<16xf32>,
        %add3A_589 = arith.constant 64 : i32
        %add3A_590 = vector.broadcast %add3A_589 : i32 to vector<16xi32>
        %add3A_591 = arith.addi %iota3A, %add3A_590 : vector<16xi32>
        tpu.vector_store_idx %arg7[%broadcast_in_dim3A_536, %add3A_591], %get3A_561 {add = true} : memref<512x128xf32, #tpu.memory_space<vmem>>[vector<16xi32>, vector<16xi32>], vector<16xf32>,
        %add3A_592 = arith.constant 80 : i32
        %add3A_593 = vector.broadcast %add3A_592 : i32 to vector<16xi32>
        %add3A_594 = arith.addi %iota3A, %add3A_593 : vector<16xi32>
        tpu.vector_store_idx %arg7[%broadcast_in_dim3A_536, %add3A_594], %get3A_566 {add = true} : memref<512x128xf32, #tpu.memory_space<vmem>>[vector<16xi32>, vector<16xi32>], vector<16xf32>,
        %add3A_595 = arith.constant 96 : i32
        %add3A_596 = vector.broadcast %add3A_595 : i32 to vector<16xi32>
        %add3A_597 = arith.addi %iota3A, %add3A_596 : vector<16xi32>
        tpu.vector_store_idx %arg7[%broadcast_in_dim3A_536, %add3A_597], %get3A_571 {add = true} : memref<512x128xf32, #tpu.memory_space<vmem>>[vector<16xi32>, vector<16xi32>], vector<16xf32>,
        %add3A_598 = arith.constant 112 : i32
        %add3A_599 = vector.broadcast %add3A_598 : i32 to vector<16xi32>
        %add3A_600 = arith.addi %iota3A, %add3A_599 : vector<16xi32>
        tpu.vector_store_idx %arg7[%broadcast_in_dim3A_536, %add3A_600], %get3A_576 {add = true} : memref<512x128xf32, #tpu.memory_space<vmem>>[vector<16xi32>, vector<16xi32>], vector<16xf32>,
        %slice3A_601 = vector.extract_strided_slice %get3A_67 {offsets = [8], sizes = [1], strides = [1]} : vector<16xi32> to vector<1xi32>
        %squeeze3A_602 = vector.extract %slice3A_601[0] : i32 from vector<1xi32>
        %broadcast_in_dim3A_603 = vector.broadcast %squeeze3A_602 : i32 to vector<16xi32>
        %add3A_604 = arith.constant 8 : i32
        %add3A_605 = arith.addi %add3A_63, %add3A_604 : i32
        %get3A_606 = arith.index_cast %add3A_605 : i32 to index
        %get3A_607 = arith.constant 0 : index
        %get3A_608 = tpu.vector_load %arg5[%get3A_606, %get3A_607] {strides = array<i32>} : memref<400x128xf32, #tpu.memory_space<vmem>>, vector<16xf32>,
        %add3A_609 = arith.constant 8 : i32
        %add3A_610 = arith.addi %add3A_63, %add3A_609 : i32
        %get3A_611 = arith.index_cast %add3A_610 : i32 to index
        %get3A_612 = arith.constant 16 : index
        %get3A_613 = tpu.vector_load %arg5[%get3A_611, %get3A_612] {strides = array<i32>} : memref<400x128xf32, #tpu.memory_space<vmem>>, vector<16xf32>,
        %add3A_614 = arith.constant 8 : i32
        %add3A_615 = arith.addi %add3A_63, %add3A_614 : i32
        %get3A_616 = arith.index_cast %add3A_615 : i32 to index
        %get3A_617 = arith.constant 32 : index
        %get3A_618 = tpu.vector_load %arg5[%get3A_616, %get3A_617] {strides = array<i32>} : memref<400x128xf32, #tpu.memory_space<vmem>>, vector<16xf32>,
        %add3A_619 = arith.constant 8 : i32
        %add3A_620 = arith.addi %add3A_63, %add3A_619 : i32
        %get3A_621 = arith.index_cast %add3A_620 : i32 to index
        %get3A_622 = arith.constant 48 : index
        %get3A_623 = tpu.vector_load %arg5[%get3A_621, %get3A_622] {strides = array<i32>} : memref<400x128xf32, #tpu.memory_space<vmem>>, vector<16xf32>,
        %add3A_624 = arith.constant 8 : i32
        %add3A_625 = arith.addi %add3A_63, %add3A_624 : i32
        %get3A_626 = arith.index_cast %add3A_625 : i32 to index
        %get3A_627 = arith.constant 64 : index
        %get3A_628 = tpu.vector_load %arg5[%get3A_626, %get3A_627] {strides = array<i32>} : memref<400x128xf32, #tpu.memory_space<vmem>>, vector<16xf32>,
        %add3A_629 = arith.constant 8 : i32
        %add3A_630 = arith.addi %add3A_63, %add3A_629 : i32
        %get3A_631 = arith.index_cast %add3A_630 : i32 to index
        %get3A_632 = arith.constant 80 : index
        %get3A_633 = tpu.vector_load %arg5[%get3A_631, %get3A_632] {strides = array<i32>} : memref<400x128xf32, #tpu.memory_space<vmem>>, vector<16xf32>,
        %add3A_634 = arith.constant 8 : i32
        %add3A_635 = arith.addi %add3A_63, %add3A_634 : i32
        %get3A_636 = arith.index_cast %add3A_635 : i32 to index
        %get3A_637 = arith.constant 96 : index
        %get3A_638 = tpu.vector_load %arg5[%get3A_636, %get3A_637] {strides = array<i32>} : memref<400x128xf32, #tpu.memory_space<vmem>>, vector<16xf32>,
        %add3A_639 = arith.constant 8 : i32
        %add3A_640 = arith.addi %add3A_63, %add3A_639 : i32
        %get3A_641 = arith.index_cast %add3A_640 : i32 to index
        %get3A_642 = arith.constant 112 : index
        %get3A_643 = tpu.vector_load %arg5[%get3A_641, %get3A_642] {strides = array<i32>} : memref<400x128xf32, #tpu.memory_space<vmem>>, vector<16xf32>,
        %add3A_644 = arith.constant 0 : i32
        %add3A_645 = vector.broadcast %add3A_644 : i32 to vector<16xi32>
        %add3A_646 = arith.addi %iota3A, %add3A_645 : vector<16xi32>
        tpu.vector_store_idx %arg7[%broadcast_in_dim3A_603, %add3A_646], %get3A_608 {add = true} : memref<512x128xf32, #tpu.memory_space<vmem>>[vector<16xi32>, vector<16xi32>], vector<16xf32>,
        %add3A_647 = arith.constant 16 : i32
        %add3A_648 = vector.broadcast %add3A_647 : i32 to vector<16xi32>
        %add3A_649 = arith.addi %iota3A, %add3A_648 : vector<16xi32>
        tpu.vector_store_idx %arg7[%broadcast_in_dim3A_603, %add3A_649], %get3A_613 {add = true} : memref<512x128xf32, #tpu.memory_space<vmem>>[vector<16xi32>, vector<16xi32>], vector<16xf32>,
        %add3A_650 = arith.constant 32 : i32
        %add3A_651 = vector.broadcast %add3A_650 : i32 to vector<16xi32>
        %add3A_652 = arith.addi %iota3A, %add3A_651 : vector<16xi32>
        tpu.vector_store_idx %arg7[%broadcast_in_dim3A_603, %add3A_652], %get3A_618 {add = true} : memref<512x128xf32, #tpu.memory_space<vmem>>[vector<16xi32>, vector<16xi32>], vector<16xf32>,
        %add3A_653 = arith.constant 48 : i32
        %add3A_654 = vector.broadcast %add3A_653 : i32 to vector<16xi32>
        %add3A_655 = arith.addi %iota3A, %add3A_654 : vector<16xi32>
        tpu.vector_store_idx %arg7[%broadcast_in_dim3A_603, %add3A_655], %get3A_623 {add = true} : memref<512x128xf32, #tpu.memory_space<vmem>>[vector<16xi32>, vector<16xi32>], vector<16xf32>,
        %add3A_656 = arith.constant 64 : i32
        %add3A_657 = vector.broadcast %add3A_656 : i32 to vector<16xi32>
        %add3A_658 = arith.addi %iota3A, %add3A_657 : vector<16xi32>
        tpu.vector_store_idx %arg7[%broadcast_in_dim3A_603, %add3A_658], %get3A_628 {add = true} : memref<512x128xf32, #tpu.memory_space<vmem>>[vector<16xi32>, vector<16xi32>], vector<16xf32>,
        %add3A_659 = arith.constant 80 : i32
        %add3A_660 = vector.broadcast %add3A_659 : i32 to vector<16xi32>
        %add3A_661 = arith.addi %iota3A, %add3A_660 : vector<16xi32>
        tpu.vector_store_idx %arg7[%broadcast_in_dim3A_603, %add3A_661], %get3A_633 {add = true} : memref<512x128xf32, #tpu.memory_space<vmem>>[vector<16xi32>, vector<16xi32>], vector<16xf32>,
        %add3A_662 = arith.constant 96 : i32
        %add3A_663 = vector.broadcast %add3A_662 : i32 to vector<16xi32>
        %add3A_664 = arith.addi %iota3A, %add3A_663 : vector<16xi32>
        tpu.vector_store_idx %arg7[%broadcast_in_dim3A_603, %add3A_664], %get3A_638 {add = true} : memref<512x128xf32, #tpu.memory_space<vmem>>[vector<16xi32>, vector<16xi32>], vector<16xf32>,
        %add3A_665 = arith.constant 112 : i32
        %add3A_666 = vector.broadcast %add3A_665 : i32 to vector<16xi32>
        %add3A_667 = arith.addi %iota3A, %add3A_666 : vector<16xi32>
        tpu.vector_store_idx %arg7[%broadcast_in_dim3A_603, %add3A_667], %get3A_643 {add = true} : memref<512x128xf32, #tpu.memory_space<vmem>>[vector<16xi32>, vector<16xi32>], vector<16xf32>,
        %slice3A_668 = vector.extract_strided_slice %get3A_67 {offsets = [9], sizes = [1], strides = [1]} : vector<16xi32> to vector<1xi32>
        %squeeze3A_669 = vector.extract %slice3A_668[0] : i32 from vector<1xi32>
        %broadcast_in_dim3A_670 = vector.broadcast %squeeze3A_669 : i32 to vector<16xi32>
        %add3A_671 = arith.constant 9 : i32
        %add3A_672 = arith.addi %add3A_63, %add3A_671 : i32
        %get3A_673 = arith.index_cast %add3A_672 : i32 to index
        %get3A_674 = arith.constant 0 : index
        %get3A_675 = tpu.vector_load %arg5[%get3A_673, %get3A_674] {strides = array<i32>} : memref<400x128xf32, #tpu.memory_space<vmem>>, vector<16xf32>,
        %add3A_676 = arith.constant 9 : i32
        %add3A_677 = arith.addi %add3A_63, %add3A_676 : i32
        %get3A_678 = arith.index_cast %add3A_677 : i32 to index
        %get3A_679 = arith.constant 16 : index
        %get3A_680 = tpu.vector_load %arg5[%get3A_678, %get3A_679] {strides = array<i32>} : memref<400x128xf32, #tpu.memory_space<vmem>>, vector<16xf32>,
        %add3A_681 = arith.constant 9 : i32
        %add3A_682 = arith.addi %add3A_63, %add3A_681 : i32
        %get3A_683 = arith.index_cast %add3A_682 : i32 to index
        %get3A_684 = arith.constant 32 : index
        %get3A_685 = tpu.vector_load %arg5[%get3A_683, %get3A_684] {strides = array<i32>} : memref<400x128xf32, #tpu.memory_space<vmem>>, vector<16xf32>,
        %add3A_686 = arith.constant 9 : i32
        %add3A_687 = arith.addi %add3A_63, %add3A_686 : i32
        %get3A_688 = arith.index_cast %add3A_687 : i32 to index
        %get3A_689 = arith.constant 48 : index
        %get3A_690 = tpu.vector_load %arg5[%get3A_688, %get3A_689] {strides = array<i32>} : memref<400x128xf32, #tpu.memory_space<vmem>>, vector<16xf32>,
        %add3A_691 = arith.constant 9 : i32
        %add3A_692 = arith.addi %add3A_63, %add3A_691 : i32
        %get3A_693 = arith.index_cast %add3A_692 : i32 to index
        %get3A_694 = arith.constant 64 : index
        %get3A_695 = tpu.vector_load %arg5[%get3A_693, %get3A_694] {strides = array<i32>} : memref<400x128xf32, #tpu.memory_space<vmem>>, vector<16xf32>,
        %add3A_696 = arith.constant 9 : i32
        %add3A_697 = arith.addi %add3A_63, %add3A_696 : i32
        %get3A_698 = arith.index_cast %add3A_697 : i32 to index
        %get3A_699 = arith.constant 80 : index
        %get3A_700 = tpu.vector_load %arg5[%get3A_698, %get3A_699] {strides = array<i32>} : memref<400x128xf32, #tpu.memory_space<vmem>>, vector<16xf32>,
        %add3A_701 = arith.constant 9 : i32
        %add3A_702 = arith.addi %add3A_63, %add3A_701 : i32
        %get3A_703 = arith.index_cast %add3A_702 : i32 to index
        %get3A_704 = arith.constant 96 : index
        %get3A_705 = tpu.vector_load %arg5[%get3A_703, %get3A_704] {strides = array<i32>} : memref<400x128xf32, #tpu.memory_space<vmem>>, vector<16xf32>,
        %add3A_706 = arith.constant 9 : i32
        %add3A_707 = arith.addi %add3A_63, %add3A_706 : i32
        %get3A_708 = arith.index_cast %add3A_707 : i32 to index
        %get3A_709 = arith.constant 112 : index
        %get3A_710 = tpu.vector_load %arg5[%get3A_708, %get3A_709] {strides = array<i32>} : memref<400x128xf32, #tpu.memory_space<vmem>>, vector<16xf32>,
        %add3A_711 = arith.constant 0 : i32
        %add3A_712 = vector.broadcast %add3A_711 : i32 to vector<16xi32>
        %add3A_713 = arith.addi %iota3A, %add3A_712 : vector<16xi32>
        tpu.vector_store_idx %arg7[%broadcast_in_dim3A_670, %add3A_713], %get3A_675 {add = true} : memref<512x128xf32, #tpu.memory_space<vmem>>[vector<16xi32>, vector<16xi32>], vector<16xf32>,
        %add3A_714 = arith.constant 16 : i32
        %add3A_715 = vector.broadcast %add3A_714 : i32 to vector<16xi32>
        %add3A_716 = arith.addi %iota3A, %add3A_715 : vector<16xi32>
        tpu.vector_store_idx %arg7[%broadcast_in_dim3A_670, %add3A_716], %get3A_680 {add = true} : memref<512x128xf32, #tpu.memory_space<vmem>>[vector<16xi32>, vector<16xi32>], vector<16xf32>,
        %add3A_717 = arith.constant 32 : i32
        %add3A_718 = vector.broadcast %add3A_717 : i32 to vector<16xi32>
        %add3A_719 = arith.addi %iota3A, %add3A_718 : vector<16xi32>
        tpu.vector_store_idx %arg7[%broadcast_in_dim3A_670, %add3A_719], %get3A_685 {add = true} : memref<512x128xf32, #tpu.memory_space<vmem>>[vector<16xi32>, vector<16xi32>], vector<16xf32>,
        %add3A_720 = arith.constant 48 : i32
        %add3A_721 = vector.broadcast %add3A_720 : i32 to vector<16xi32>
        %add3A_722 = arith.addi %iota3A, %add3A_721 : vector<16xi32>
        tpu.vector_store_idx %arg7[%broadcast_in_dim3A_670, %add3A_722], %get3A_690 {add = true} : memref<512x128xf32, #tpu.memory_space<vmem>>[vector<16xi32>, vector<16xi32>], vector<16xf32>,
        %add3A_723 = arith.constant 64 : i32
        %add3A_724 = vector.broadcast %add3A_723 : i32 to vector<16xi32>
        %add3A_725 = arith.addi %iota3A, %add3A_724 : vector<16xi32>
        tpu.vector_store_idx %arg7[%broadcast_in_dim3A_670, %add3A_725], %get3A_695 {add = true} : memref<512x128xf32, #tpu.memory_space<vmem>>[vector<16xi32>, vector<16xi32>], vector<16xf32>,
        %add3A_726 = arith.constant 80 : i32
        %add3A_727 = vector.broadcast %add3A_726 : i32 to vector<16xi32>
        %add3A_728 = arith.addi %iota3A, %add3A_727 : vector<16xi32>
        tpu.vector_store_idx %arg7[%broadcast_in_dim3A_670, %add3A_728], %get3A_700 {add = true} : memref<512x128xf32, #tpu.memory_space<vmem>>[vector<16xi32>, vector<16xi32>], vector<16xf32>,
        %add3A_729 = arith.constant 96 : i32
        %add3A_730 = vector.broadcast %add3A_729 : i32 to vector<16xi32>
        %add3A_731 = arith.addi %iota3A, %add3A_730 : vector<16xi32>
        tpu.vector_store_idx %arg7[%broadcast_in_dim3A_670, %add3A_731], %get3A_705 {add = true} : memref<512x128xf32, #tpu.memory_space<vmem>>[vector<16xi32>, vector<16xi32>], vector<16xf32>,
        %add3A_732 = arith.constant 112 : i32
        %add3A_733 = vector.broadcast %add3A_732 : i32 to vector<16xi32>
        %add3A_734 = arith.addi %iota3A, %add3A_733 : vector<16xi32>
        tpu.vector_store_idx %arg7[%broadcast_in_dim3A_670, %add3A_734], %get3A_710 {add = true} : memref<512x128xf32, #tpu.memory_space<vmem>>[vector<16xi32>, vector<16xi32>], vector<16xf32>,
        %slice3A_735 = vector.extract_strided_slice %get3A_67 {offsets = [10], sizes = [1], strides = [1]} : vector<16xi32> to vector<1xi32>
        %squeeze3A_736 = vector.extract %slice3A_735[0] : i32 from vector<1xi32>
        %broadcast_in_dim3A_737 = vector.broadcast %squeeze3A_736 : i32 to vector<16xi32>
        %add3A_738 = arith.constant 10 : i32
        %add3A_739 = arith.addi %add3A_63, %add3A_738 : i32
        %get3A_740 = arith.index_cast %add3A_739 : i32 to index
        %get3A_741 = arith.constant 0 : index
        %get3A_742 = tpu.vector_load %arg5[%get3A_740, %get3A_741] {strides = array<i32>} : memref<400x128xf32, #tpu.memory_space<vmem>>, vector<16xf32>,
        %add3A_743 = arith.constant 10 : i32
        %add3A_744 = arith.addi %add3A_63, %add3A_743 : i32
        %get3A_745 = arith.index_cast %add3A_744 : i32 to index
        %get3A_746 = arith.constant 16 : index
        %get3A_747 = tpu.vector_load %arg5[%get3A_745, %get3A_746] {strides = array<i32>} : memref<400x128xf32, #tpu.memory_space<vmem>>, vector<16xf32>,
        %add3A_748 = arith.constant 10 : i32
        %add3A_749 = arith.addi %add3A_63, %add3A_748 : i32
        %get3A_750 = arith.index_cast %add3A_749 : i32 to index
        %get3A_751 = arith.constant 32 : index
        %get3A_752 = tpu.vector_load %arg5[%get3A_750, %get3A_751] {strides = array<i32>} : memref<400x128xf32, #tpu.memory_space<vmem>>, vector<16xf32>,
        %add3A_753 = arith.constant 10 : i32
        %add3A_754 = arith.addi %add3A_63, %add3A_753 : i32
        %get3A_755 = arith.index_cast %add3A_754 : i32 to index
        %get3A_756 = arith.constant 48 : index
        %get3A_757 = tpu.vector_load %arg5[%get3A_755, %get3A_756] {strides = array<i32>} : memref<400x128xf32, #tpu.memory_space<vmem>>, vector<16xf32>,
        %add3A_758 = arith.constant 10 : i32
        %add3A_759 = arith.addi %add3A_63, %add3A_758 : i32
        %get3A_760 = arith.index_cast %add3A_759 : i32 to index
        %get3A_761 = arith.constant 64 : index
        %get3A_762 = tpu.vector_load %arg5[%get3A_760, %get3A_761] {strides = array<i32>} : memref<400x128xf32, #tpu.memory_space<vmem>>, vector<16xf32>,
        %add3A_763 = arith.constant 10 : i32
        %add3A_764 = arith.addi %add3A_63, %add3A_763 : i32
        %get3A_765 = arith.index_cast %add3A_764 : i32 to index
        %get3A_766 = arith.constant 80 : index
        %get3A_767 = tpu.vector_load %arg5[%get3A_765, %get3A_766] {strides = array<i32>} : memref<400x128xf32, #tpu.memory_space<vmem>>, vector<16xf32>,
        %add3A_768 = arith.constant 10 : i32
        %add3A_769 = arith.addi %add3A_63, %add3A_768 : i32
        %get3A_770 = arith.index_cast %add3A_769 : i32 to index
        %get3A_771 = arith.constant 96 : index
        %get3A_772 = tpu.vector_load %arg5[%get3A_770, %get3A_771] {strides = array<i32>} : memref<400x128xf32, #tpu.memory_space<vmem>>, vector<16xf32>,
        %add3A_773 = arith.constant 10 : i32
        %add3A_774 = arith.addi %add3A_63, %add3A_773 : i32
        %get3A_775 = arith.index_cast %add3A_774 : i32 to index
        %get3A_776 = arith.constant 112 : index
        %get3A_777 = tpu.vector_load %arg5[%get3A_775, %get3A_776] {strides = array<i32>} : memref<400x128xf32, #tpu.memory_space<vmem>>, vector<16xf32>,
        %add3A_778 = arith.constant 0 : i32
        %add3A_779 = vector.broadcast %add3A_778 : i32 to vector<16xi32>
        %add3A_780 = arith.addi %iota3A, %add3A_779 : vector<16xi32>
        tpu.vector_store_idx %arg7[%broadcast_in_dim3A_737, %add3A_780], %get3A_742 {add = true} : memref<512x128xf32, #tpu.memory_space<vmem>>[vector<16xi32>, vector<16xi32>], vector<16xf32>,
        %add3A_781 = arith.constant 16 : i32
        %add3A_782 = vector.broadcast %add3A_781 : i32 to vector<16xi32>
        %add3A_783 = arith.addi %iota3A, %add3A_782 : vector<16xi32>
        tpu.vector_store_idx %arg7[%broadcast_in_dim3A_737, %add3A_783], %get3A_747 {add = true} : memref<512x128xf32, #tpu.memory_space<vmem>>[vector<16xi32>, vector<16xi32>], vector<16xf32>,
        %add3A_784 = arith.constant 32 : i32
        %add3A_785 = vector.broadcast %add3A_784 : i32 to vector<16xi32>
        %add3A_786 = arith.addi %iota3A, %add3A_785 : vector<16xi32>
        tpu.vector_store_idx %arg7[%broadcast_in_dim3A_737, %add3A_786], %get3A_752 {add = true} : memref<512x128xf32, #tpu.memory_space<vmem>>[vector<16xi32>, vector<16xi32>], vector<16xf32>,
        %add3A_787 = arith.constant 48 : i32
        %add3A_788 = vector.broadcast %add3A_787 : i32 to vector<16xi32>
        %add3A_789 = arith.addi %iota3A, %add3A_788 : vector<16xi32>
        tpu.vector_store_idx %arg7[%broadcast_in_dim3A_737, %add3A_789], %get3A_757 {add = true} : memref<512x128xf32, #tpu.memory_space<vmem>>[vector<16xi32>, vector<16xi32>], vector<16xf32>,
        %add3A_790 = arith.constant 64 : i32
        %add3A_791 = vector.broadcast %add3A_790 : i32 to vector<16xi32>
        %add3A_792 = arith.addi %iota3A, %add3A_791 : vector<16xi32>
        tpu.vector_store_idx %arg7[%broadcast_in_dim3A_737, %add3A_792], %get3A_762 {add = true} : memref<512x128xf32, #tpu.memory_space<vmem>>[vector<16xi32>, vector<16xi32>], vector<16xf32>,
        %add3A_793 = arith.constant 80 : i32
        %add3A_794 = vector.broadcast %add3A_793 : i32 to vector<16xi32>
        %add3A_795 = arith.addi %iota3A, %add3A_794 : vector<16xi32>
        tpu.vector_store_idx %arg7[%broadcast_in_dim3A_737, %add3A_795], %get3A_767 {add = true} : memref<512x128xf32, #tpu.memory_space<vmem>>[vector<16xi32>, vector<16xi32>], vector<16xf32>,
        %add3A_796 = arith.constant 96 : i32
        %add3A_797 = vector.broadcast %add3A_796 : i32 to vector<16xi32>
        %add3A_798 = arith.addi %iota3A, %add3A_797 : vector<16xi32>
        tpu.vector_store_idx %arg7[%broadcast_in_dim3A_737, %add3A_798], %get3A_772 {add = true} : memref<512x128xf32, #tpu.memory_space<vmem>>[vector<16xi32>, vector<16xi32>], vector<16xf32>,
        %add3A_799 = arith.constant 112 : i32
        %add3A_800 = vector.broadcast %add3A_799 : i32 to vector<16xi32>
        %add3A_801 = arith.addi %iota3A, %add3A_800 : vector<16xi32>
        tpu.vector_store_idx %arg7[%broadcast_in_dim3A_737, %add3A_801], %get3A_777 {add = true} : memref<512x128xf32, #tpu.memory_space<vmem>>[vector<16xi32>, vector<16xi32>], vector<16xf32>,
        %slice3A_802 = vector.extract_strided_slice %get3A_67 {offsets = [11], sizes = [1], strides = [1]} : vector<16xi32> to vector<1xi32>
        %squeeze3A_803 = vector.extract %slice3A_802[0] : i32 from vector<1xi32>
        %broadcast_in_dim3A_804 = vector.broadcast %squeeze3A_803 : i32 to vector<16xi32>
        %add3A_805 = arith.constant 11 : i32
        %add3A_806 = arith.addi %add3A_63, %add3A_805 : i32
        %get3A_807 = arith.index_cast %add3A_806 : i32 to index
        %get3A_808 = arith.constant 0 : index
        %get3A_809 = tpu.vector_load %arg5[%get3A_807, %get3A_808] {strides = array<i32>} : memref<400x128xf32, #tpu.memory_space<vmem>>, vector<16xf32>,
        %add3A_810 = arith.constant 11 : i32
        %add3A_811 = arith.addi %add3A_63, %add3A_810 : i32
        %get3A_812 = arith.index_cast %add3A_811 : i32 to index
        %get3A_813 = arith.constant 16 : index
        %get3A_814 = tpu.vector_load %arg5[%get3A_812, %get3A_813] {strides = array<i32>} : memref<400x128xf32, #tpu.memory_space<vmem>>, vector<16xf32>,
        %add3A_815 = arith.constant 11 : i32
        %add3A_816 = arith.addi %add3A_63, %add3A_815 : i32
        %get3A_817 = arith.index_cast %add3A_816 : i32 to index
        %get3A_818 = arith.constant 32 : index
        %get3A_819 = tpu.vector_load %arg5[%get3A_817, %get3A_818] {strides = array<i32>} : memref<400x128xf32, #tpu.memory_space<vmem>>, vector<16xf32>,
        %add3A_820 = arith.constant 11 : i32
        %add3A_821 = arith.addi %add3A_63, %add3A_820 : i32
        %get3A_822 = arith.index_cast %add3A_821 : i32 to index
        %get3A_823 = arith.constant 48 : index
        %get3A_824 = tpu.vector_load %arg5[%get3A_822, %get3A_823] {strides = array<i32>} : memref<400x128xf32, #tpu.memory_space<vmem>>, vector<16xf32>,
        %add3A_825 = arith.constant 11 : i32
        %add3A_826 = arith.addi %add3A_63, %add3A_825 : i32
        %get3A_827 = arith.index_cast %add3A_826 : i32 to index
        %get3A_828 = arith.constant 64 : index
        %get3A_829 = tpu.vector_load %arg5[%get3A_827, %get3A_828] {strides = array<i32>} : memref<400x128xf32, #tpu.memory_space<vmem>>, vector<16xf32>,
        %add3A_830 = arith.constant 11 : i32
        %add3A_831 = arith.addi %add3A_63, %add3A_830 : i32
        %get3A_832 = arith.index_cast %add3A_831 : i32 to index
        %get3A_833 = arith.constant 80 : index
        %get3A_834 = tpu.vector_load %arg5[%get3A_832, %get3A_833] {strides = array<i32>} : memref<400x128xf32, #tpu.memory_space<vmem>>, vector<16xf32>,
        %add3A_835 = arith.constant 11 : i32
        %add3A_836 = arith.addi %add3A_63, %add3A_835 : i32
        %get3A_837 = arith.index_cast %add3A_836 : i32 to index
        %get3A_838 = arith.constant 96 : index
        %get3A_839 = tpu.vector_load %arg5[%get3A_837, %get3A_838] {strides = array<i32>} : memref<400x128xf32, #tpu.memory_space<vmem>>, vector<16xf32>,
        %add3A_840 = arith.constant 11 : i32
        %add3A_841 = arith.addi %add3A_63, %add3A_840 : i32
        %get3A_842 = arith.index_cast %add3A_841 : i32 to index
        %get3A_843 = arith.constant 112 : index
        %get3A_844 = tpu.vector_load %arg5[%get3A_842, %get3A_843] {strides = array<i32>} : memref<400x128xf32, #tpu.memory_space<vmem>>, vector<16xf32>,
        %add3A_845 = arith.constant 0 : i32
        %add3A_846 = vector.broadcast %add3A_845 : i32 to vector<16xi32>
        %add3A_847 = arith.addi %iota3A, %add3A_846 : vector<16xi32>
        tpu.vector_store_idx %arg7[%broadcast_in_dim3A_804, %add3A_847], %get3A_809 {add = true} : memref<512x128xf32, #tpu.memory_space<vmem>>[vector<16xi32>, vector<16xi32>], vector<16xf32>,
        %add3A_848 = arith.constant 16 : i32
        %add3A_849 = vector.broadcast %add3A_848 : i32 to vector<16xi32>
        %add3A_850 = arith.addi %iota3A, %add3A_849 : vector<16xi32>
        tpu.vector_store_idx %arg7[%broadcast_in_dim3A_804, %add3A_850], %get3A_814 {add = true} : memref<512x128xf32, #tpu.memory_space<vmem>>[vector<16xi32>, vector<16xi32>], vector<16xf32>,
        %add3A_851 = arith.constant 32 : i32
        %add3A_852 = vector.broadcast %add3A_851 : i32 to vector<16xi32>
        %add3A_853 = arith.addi %iota3A, %add3A_852 : vector<16xi32>
        tpu.vector_store_idx %arg7[%broadcast_in_dim3A_804, %add3A_853], %get3A_819 {add = true} : memref<512x128xf32, #tpu.memory_space<vmem>>[vector<16xi32>, vector<16xi32>], vector<16xf32>,
        %add3A_854 = arith.constant 48 : i32
        %add3A_855 = vector.broadcast %add3A_854 : i32 to vector<16xi32>
        %add3A_856 = arith.addi %iota3A, %add3A_855 : vector<16xi32>
        tpu.vector_store_idx %arg7[%broadcast_in_dim3A_804, %add3A_856], %get3A_824 {add = true} : memref<512x128xf32, #tpu.memory_space<vmem>>[vector<16xi32>, vector<16xi32>], vector<16xf32>,
        %add3A_857 = arith.constant 64 : i32
        %add3A_858 = vector.broadcast %add3A_857 : i32 to vector<16xi32>
        %add3A_859 = arith.addi %iota3A, %add3A_858 : vector<16xi32>
        tpu.vector_store_idx %arg7[%broadcast_in_dim3A_804, %add3A_859], %get3A_829 {add = true} : memref<512x128xf32, #tpu.memory_space<vmem>>[vector<16xi32>, vector<16xi32>], vector<16xf32>,
        %add3A_860 = arith.constant 80 : i32
        %add3A_861 = vector.broadcast %add3A_860 : i32 to vector<16xi32>
        %add3A_862 = arith.addi %iota3A, %add3A_861 : vector<16xi32>
        tpu.vector_store_idx %arg7[%broadcast_in_dim3A_804, %add3A_862], %get3A_834 {add = true} : memref<512x128xf32, #tpu.memory_space<vmem>>[vector<16xi32>, vector<16xi32>], vector<16xf32>,
        %add3A_863 = arith.constant 96 : i32
        %add3A_864 = vector.broadcast %add3A_863 : i32 to vector<16xi32>
        %add3A_865 = arith.addi %iota3A, %add3A_864 : vector<16xi32>
        tpu.vector_store_idx %arg7[%broadcast_in_dim3A_804, %add3A_865], %get3A_839 {add = true} : memref<512x128xf32, #tpu.memory_space<vmem>>[vector<16xi32>, vector<16xi32>], vector<16xf32>,
        %add3A_866 = arith.constant 112 : i32
        %add3A_867 = vector.broadcast %add3A_866 : i32 to vector<16xi32>
        %add3A_868 = arith.addi %iota3A, %add3A_867 : vector<16xi32>
        tpu.vector_store_idx %arg7[%broadcast_in_dim3A_804, %add3A_868], %get3A_844 {add = true} : memref<512x128xf32, #tpu.memory_space<vmem>>[vector<16xi32>, vector<16xi32>], vector<16xf32>,
        %slice3A_869 = vector.extract_strided_slice %get3A_67 {offsets = [12], sizes = [1], strides = [1]} : vector<16xi32> to vector<1xi32>
        %squeeze3A_870 = vector.extract %slice3A_869[0] : i32 from vector<1xi32>
        %broadcast_in_dim3A_871 = vector.broadcast %squeeze3A_870 : i32 to vector<16xi32>
        %add3A_872 = arith.constant 12 : i32
        %add3A_873 = arith.addi %add3A_63, %add3A_872 : i32
        %get3A_874 = arith.index_cast %add3A_873 : i32 to index
        %get3A_875 = arith.constant 0 : index
        %get3A_876 = tpu.vector_load %arg5[%get3A_874, %get3A_875] {strides = array<i32>} : memref<400x128xf32, #tpu.memory_space<vmem>>, vector<16xf32>,
        %add3A_877 = arith.constant 12 : i32
        %add3A_878 = arith.addi %add3A_63, %add3A_877 : i32
        %get3A_879 = arith.index_cast %add3A_878 : i32 to index
        %get3A_880 = arith.constant 16 : index
        %get3A_881 = tpu.vector_load %arg5[%get3A_879, %get3A_880] {strides = array<i32>} : memref<400x128xf32, #tpu.memory_space<vmem>>, vector<16xf32>,
        %add3A_882 = arith.constant 12 : i32
        %add3A_883 = arith.addi %add3A_63, %add3A_882 : i32
        %get3A_884 = arith.index_cast %add3A_883 : i32 to index
        %get3A_885 = arith.constant 32 : index
        %get3A_886 = tpu.vector_load %arg5[%get3A_884, %get3A_885] {strides = array<i32>} : memref<400x128xf32, #tpu.memory_space<vmem>>, vector<16xf32>,
        %add3A_887 = arith.constant 12 : i32
        %add3A_888 = arith.addi %add3A_63, %add3A_887 : i32
        %get3A_889 = arith.index_cast %add3A_888 : i32 to index
        %get3A_890 = arith.constant 48 : index
        %get3A_891 = tpu.vector_load %arg5[%get3A_889, %get3A_890] {strides = array<i32>} : memref<400x128xf32, #tpu.memory_space<vmem>>, vector<16xf32>,
        %add3A_892 = arith.constant 12 : i32
        %add3A_893 = arith.addi %add3A_63, %add3A_892 : i32
        %get3A_894 = arith.index_cast %add3A_893 : i32 to index
        %get3A_895 = arith.constant 64 : index
        %get3A_896 = tpu.vector_load %arg5[%get3A_894, %get3A_895] {strides = array<i32>} : memref<400x128xf32, #tpu.memory_space<vmem>>, vector<16xf32>,
        %add3A_897 = arith.constant 12 : i32
        %add3A_898 = arith.addi %add3A_63, %add3A_897 : i32
        %get3A_899 = arith.index_cast %add3A_898 : i32 to index
        %get3A_900 = arith.constant 80 : index
        %get3A_901 = tpu.vector_load %arg5[%get3A_899, %get3A_900] {strides = array<i32>} : memref<400x128xf32, #tpu.memory_space<vmem>>, vector<16xf32>,
        %add3A_902 = arith.constant 12 : i32
        %add3A_903 = arith.addi %add3A_63, %add3A_902 : i32
        %get3A_904 = arith.index_cast %add3A_903 : i32 to index
        %get3A_905 = arith.constant 96 : index
        %get3A_906 = tpu.vector_load %arg5[%get3A_904, %get3A_905] {strides = array<i32>} : memref<400x128xf32, #tpu.memory_space<vmem>>, vector<16xf32>,
        %add3A_907 = arith.constant 12 : i32
        %add3A_908 = arith.addi %add3A_63, %add3A_907 : i32
        %get3A_909 = arith.index_cast %add3A_908 : i32 to index
        %get3A_910 = arith.constant 112 : index
        %get3A_911 = tpu.vector_load %arg5[%get3A_909, %get3A_910] {strides = array<i32>} : memref<400x128xf32, #tpu.memory_space<vmem>>, vector<16xf32>,
        %add3A_912 = arith.constant 0 : i32
        %add3A_913 = vector.broadcast %add3A_912 : i32 to vector<16xi32>
        %add3A_914 = arith.addi %iota3A, %add3A_913 : vector<16xi32>
        tpu.vector_store_idx %arg7[%broadcast_in_dim3A_871, %add3A_914], %get3A_876 {add = true} : memref<512x128xf32, #tpu.memory_space<vmem>>[vector<16xi32>, vector<16xi32>], vector<16xf32>,
        %add3A_915 = arith.constant 16 : i32
        %add3A_916 = vector.broadcast %add3A_915 : i32 to vector<16xi32>
        %add3A_917 = arith.addi %iota3A, %add3A_916 : vector<16xi32>
        tpu.vector_store_idx %arg7[%broadcast_in_dim3A_871, %add3A_917], %get3A_881 {add = true} : memref<512x128xf32, #tpu.memory_space<vmem>>[vector<16xi32>, vector<16xi32>], vector<16xf32>,
        %add3A_918 = arith.constant 32 : i32
        %add3A_919 = vector.broadcast %add3A_918 : i32 to vector<16xi32>
        %add3A_920 = arith.addi %iota3A, %add3A_919 : vector<16xi32>
        tpu.vector_store_idx %arg7[%broadcast_in_dim3A_871, %add3A_920], %get3A_886 {add = true} : memref<512x128xf32, #tpu.memory_space<vmem>>[vector<16xi32>, vector<16xi32>], vector<16xf32>,
        %add3A_921 = arith.constant 48 : i32
        %add3A_922 = vector.broadcast %add3A_921 : i32 to vector<16xi32>
        %add3A_923 = arith.addi %iota3A, %add3A_922 : vector<16xi32>
        tpu.vector_store_idx %arg7[%broadcast_in_dim3A_871, %add3A_923], %get3A_891 {add = true} : memref<512x128xf32, #tpu.memory_space<vmem>>[vector<16xi32>, vector<16xi32>], vector<16xf32>,
        %add3A_924 = arith.constant 64 : i32
        %add3A_925 = vector.broadcast %add3A_924 : i32 to vector<16xi32>
        %add3A_926 = arith.addi %iota3A, %add3A_925 : vector<16xi32>
        tpu.vector_store_idx %arg7[%broadcast_in_dim3A_871, %add3A_926], %get3A_896 {add = true} : memref<512x128xf32, #tpu.memory_space<vmem>>[vector<16xi32>, vector<16xi32>], vector<16xf32>,
        %add3A_927 = arith.constant 80 : i32
        %add3A_928 = vector.broadcast %add3A_927 : i32 to vector<16xi32>
        %add3A_929 = arith.addi %iota3A, %add3A_928 : vector<16xi32>
        tpu.vector_store_idx %arg7[%broadcast_in_dim3A_871, %add3A_929], %get3A_901 {add = true} : memref<512x128xf32, #tpu.memory_space<vmem>>[vector<16xi32>, vector<16xi32>], vector<16xf32>,
        %add3A_930 = arith.constant 96 : i32
        %add3A_931 = vector.broadcast %add3A_930 : i32 to vector<16xi32>
        %add3A_932 = arith.addi %iota3A, %add3A_931 : vector<16xi32>
        tpu.vector_store_idx %arg7[%broadcast_in_dim3A_871, %add3A_932], %get3A_906 {add = true} : memref<512x128xf32, #tpu.memory_space<vmem>>[vector<16xi32>, vector<16xi32>], vector<16xf32>,
        %add3A_933 = arith.constant 112 : i32
        %add3A_934 = vector.broadcast %add3A_933 : i32 to vector<16xi32>
        %add3A_935 = arith.addi %iota3A, %add3A_934 : vector<16xi32>
        tpu.vector_store_idx %arg7[%broadcast_in_dim3A_871, %add3A_935], %get3A_911 {add = true} : memref<512x128xf32, #tpu.memory_space<vmem>>[vector<16xi32>, vector<16xi32>], vector<16xf32>,
        %slice3A_936 = vector.extract_strided_slice %get3A_67 {offsets = [13], sizes = [1], strides = [1]} : vector<16xi32> to vector<1xi32>
        %squeeze3A_937 = vector.extract %slice3A_936[0] : i32 from vector<1xi32>
        %broadcast_in_dim3A_938 = vector.broadcast %squeeze3A_937 : i32 to vector<16xi32>
        %add3A_939 = arith.constant 13 : i32
        %add3A_940 = arith.addi %add3A_63, %add3A_939 : i32
        %get3A_941 = arith.index_cast %add3A_940 : i32 to index
        %get3A_942 = arith.constant 0 : index
        %get3A_943 = tpu.vector_load %arg5[%get3A_941, %get3A_942] {strides = array<i32>} : memref<400x128xf32, #tpu.memory_space<vmem>>, vector<16xf32>,
        %add3A_944 = arith.constant 13 : i32
        %add3A_945 = arith.addi %add3A_63, %add3A_944 : i32
        %get3A_946 = arith.index_cast %add3A_945 : i32 to index
        %get3A_947 = arith.constant 16 : index
        %get3A_948 = tpu.vector_load %arg5[%get3A_946, %get3A_947] {strides = array<i32>} : memref<400x128xf32, #tpu.memory_space<vmem>>, vector<16xf32>,
        %add3A_949 = arith.constant 13 : i32
        %add3A_950 = arith.addi %add3A_63, %add3A_949 : i32
        %get3A_951 = arith.index_cast %add3A_950 : i32 to index
        %get3A_952 = arith.constant 32 : index
        %get3A_953 = tpu.vector_load %arg5[%get3A_951, %get3A_952] {strides = array<i32>} : memref<400x128xf32, #tpu.memory_space<vmem>>, vector<16xf32>,
        %add3A_954 = arith.constant 13 : i32
        %add3A_955 = arith.addi %add3A_63, %add3A_954 : i32
        %get3A_956 = arith.index_cast %add3A_955 : i32 to index
        %get3A_957 = arith.constant 48 : index
        %get3A_958 = tpu.vector_load %arg5[%get3A_956, %get3A_957] {strides = array<i32>} : memref<400x128xf32, #tpu.memory_space<vmem>>, vector<16xf32>,
        %add3A_959 = arith.constant 13 : i32
        %add3A_960 = arith.addi %add3A_63, %add3A_959 : i32
        %get3A_961 = arith.index_cast %add3A_960 : i32 to index
        %get3A_962 = arith.constant 64 : index
        %get3A_963 = tpu.vector_load %arg5[%get3A_961, %get3A_962] {strides = array<i32>} : memref<400x128xf32, #tpu.memory_space<vmem>>, vector<16xf32>,
        %add3A_964 = arith.constant 13 : i32
        %add3A_965 = arith.addi %add3A_63, %add3A_964 : i32
        %get3A_966 = arith.index_cast %add3A_965 : i32 to index
        %get3A_967 = arith.constant 80 : index
        %get3A_968 = tpu.vector_load %arg5[%get3A_966, %get3A_967] {strides = array<i32>} : memref<400x128xf32, #tpu.memory_space<vmem>>, vector<16xf32>,
        %add3A_969 = arith.constant 13 : i32
        %add3A_970 = arith.addi %add3A_63, %add3A_969 : i32
        %get3A_971 = arith.index_cast %add3A_970 : i32 to index
        %get3A_972 = arith.constant 96 : index
        %get3A_973 = tpu.vector_load %arg5[%get3A_971, %get3A_972] {strides = array<i32>} : memref<400x128xf32, #tpu.memory_space<vmem>>, vector<16xf32>,
        %add3A_974 = arith.constant 13 : i32
        %add3A_975 = arith.addi %add3A_63, %add3A_974 : i32
        %get3A_976 = arith.index_cast %add3A_975 : i32 to index
        %get3A_977 = arith.constant 112 : index
        %get3A_978 = tpu.vector_load %arg5[%get3A_976, %get3A_977] {strides = array<i32>} : memref<400x128xf32, #tpu.memory_space<vmem>>, vector<16xf32>,
        %add3A_979 = arith.constant 0 : i32
        %add3A_980 = vector.broadcast %add3A_979 : i32 to vector<16xi32>
        %add3A_981 = arith.addi %iota3A, %add3A_980 : vector<16xi32>
        tpu.vector_store_idx %arg7[%broadcast_in_dim3A_938, %add3A_981], %get3A_943 {add = true} : memref<512x128xf32, #tpu.memory_space<vmem>>[vector<16xi32>, vector<16xi32>], vector<16xf32>,
        %add3A_982 = arith.constant 16 : i32
        %add3A_983 = vector.broadcast %add3A_982 : i32 to vector<16xi32>
        %add3A_984 = arith.addi %iota3A, %add3A_983 : vector<16xi32>
        tpu.vector_store_idx %arg7[%broadcast_in_dim3A_938, %add3A_984], %get3A_948 {add = true} : memref<512x128xf32, #tpu.memory_space<vmem>>[vector<16xi32>, vector<16xi32>], vector<16xf32>,
        %add3A_985 = arith.constant 32 : i32
        %add3A_986 = vector.broadcast %add3A_985 : i32 to vector<16xi32>
        %add3A_987 = arith.addi %iota3A, %add3A_986 : vector<16xi32>
        tpu.vector_store_idx %arg7[%broadcast_in_dim3A_938, %add3A_987], %get3A_953 {add = true} : memref<512x128xf32, #tpu.memory_space<vmem>>[vector<16xi32>, vector<16xi32>], vector<16xf32>,
        %add3A_988 = arith.constant 48 : i32
        %add3A_989 = vector.broadcast %add3A_988 : i32 to vector<16xi32>
        %add3A_990 = arith.addi %iota3A, %add3A_989 : vector<16xi32>
        tpu.vector_store_idx %arg7[%broadcast_in_dim3A_938, %add3A_990], %get3A_958 {add = true} : memref<512x128xf32, #tpu.memory_space<vmem>>[vector<16xi32>, vector<16xi32>], vector<16xf32>,
        %add3A_991 = arith.constant 64 : i32
        %add3A_992 = vector.broadcast %add3A_991 : i32 to vector<16xi32>
        %add3A_993 = arith.addi %iota3A, %add3A_992 : vector<16xi32>
        tpu.vector_store_idx %arg7[%broadcast_in_dim3A_938, %add3A_993], %get3A_963 {add = true} : memref<512x128xf32, #tpu.memory_space<vmem>>[vector<16xi32>, vector<16xi32>], vector<16xf32>,
        %add3A_994 = arith.constant 80 : i32
        %add3A_995 = vector.broadcast %add3A_994 : i32 to vector<16xi32>
        %add3A_996 = arith.addi %iota3A, %add3A_995 : vector<16xi32>
        tpu.vector_store_idx %arg7[%broadcast_in_dim3A_938, %add3A_996], %get3A_968 {add = true} : memref<512x128xf32, #tpu.memory_space<vmem>>[vector<16xi32>, vector<16xi32>], vector<16xf32>,
        %add3A_997 = arith.constant 96 : i32
        %add3A_998 = vector.broadcast %add3A_997 : i32 to vector<16xi32>
        %add3A_999 = arith.addi %iota3A, %add3A_998 : vector<16xi32>
        tpu.vector_store_idx %arg7[%broadcast_in_dim3A_938, %add3A_999], %get3A_973 {add = true} : memref<512x128xf32, #tpu.memory_space<vmem>>[vector<16xi32>, vector<16xi32>], vector<16xf32>,
        %add3A_1000 = arith.constant 112 : i32
        %add3A_1001 = vector.broadcast %add3A_1000 : i32 to vector<16xi32>
        %add3A_1002 = arith.addi %iota3A, %add3A_1001 : vector<16xi32>
        tpu.vector_store_idx %arg7[%broadcast_in_dim3A_938, %add3A_1002], %get3A_978 {add = true} : memref<512x128xf32, #tpu.memory_space<vmem>>[vector<16xi32>, vector<16xi32>], vector<16xf32>,
        %slice3A_1003 = vector.extract_strided_slice %get3A_67 {offsets = [14], sizes = [1], strides = [1]} : vector<16xi32> to vector<1xi32>
        %squeeze3A_1004 = vector.extract %slice3A_1003[0] : i32 from vector<1xi32>
        %broadcast_in_dim3A_1005 = vector.broadcast %squeeze3A_1004 : i32 to vector<16xi32>
        %add3A_1006 = arith.constant 14 : i32
        %add3A_1007 = arith.addi %add3A_63, %add3A_1006 : i32
        %get3A_1008 = arith.index_cast %add3A_1007 : i32 to index
        %get3A_1009 = arith.constant 0 : index
        %get3A_1010 = tpu.vector_load %arg5[%get3A_1008, %get3A_1009] {strides = array<i32>} : memref<400x128xf32, #tpu.memory_space<vmem>>, vector<16xf32>,
        %add3A_1011 = arith.constant 14 : i32
        %add3A_1012 = arith.addi %add3A_63, %add3A_1011 : i32
        %get3A_1013 = arith.index_cast %add3A_1012 : i32 to index
        %get3A_1014 = arith.constant 16 : index
        %get3A_1015 = tpu.vector_load %arg5[%get3A_1013, %get3A_1014] {strides = array<i32>} : memref<400x128xf32, #tpu.memory_space<vmem>>, vector<16xf32>,
        %add3A_1016 = arith.constant 14 : i32
        %add3A_1017 = arith.addi %add3A_63, %add3A_1016 : i32
        %get3A_1018 = arith.index_cast %add3A_1017 : i32 to index
        %get3A_1019 = arith.constant 32 : index
        %get3A_1020 = tpu.vector_load %arg5[%get3A_1018, %get3A_1019] {strides = array<i32>} : memref<400x128xf32, #tpu.memory_space<vmem>>, vector<16xf32>,
        %add3A_1021 = arith.constant 14 : i32
        %add3A_1022 = arith.addi %add3A_63, %add3A_1021 : i32
        %get3A_1023 = arith.index_cast %add3A_1022 : i32 to index
        %get3A_1024 = arith.constant 48 : index
        %get3A_1025 = tpu.vector_load %arg5[%get3A_1023, %get3A_1024] {strides = array<i32>} : memref<400x128xf32, #tpu.memory_space<vmem>>, vector<16xf32>,
        %add3A_1026 = arith.constant 14 : i32
        %add3A_1027 = arith.addi %add3A_63, %add3A_1026 : i32
        %get3A_1028 = arith.index_cast %add3A_1027 : i32 to index
        %get3A_1029 = arith.constant 64 : index
        %get3A_1030 = tpu.vector_load %arg5[%get3A_1028, %get3A_1029] {strides = array<i32>} : memref<400x128xf32, #tpu.memory_space<vmem>>, vector<16xf32>,
        %add3A_1031 = arith.constant 14 : i32
        %add3A_1032 = arith.addi %add3A_63, %add3A_1031 : i32
        %get3A_1033 = arith.index_cast %add3A_1032 : i32 to index
        %get3A_1034 = arith.constant 80 : index
        %get3A_1035 = tpu.vector_load %arg5[%get3A_1033, %get3A_1034] {strides = array<i32>} : memref<400x128xf32, #tpu.memory_space<vmem>>, vector<16xf32>,
        %add3A_1036 = arith.constant 14 : i32
        %add3A_1037 = arith.addi %add3A_63, %add3A_1036 : i32
        %get3A_1038 = arith.index_cast %add3A_1037 : i32 to index
        %get3A_1039 = arith.constant 96 : index
        %get3A_1040 = tpu.vector_load %arg5[%get3A_1038, %get3A_1039] {strides = array<i32>} : memref<400x128xf32, #tpu.memory_space<vmem>>, vector<16xf32>,
        %add3A_1041 = arith.constant 14 : i32
        %add3A_1042 = arith.addi %add3A_63, %add3A_1041 : i32
        %get3A_1043 = arith.index_cast %add3A_1042 : i32 to index
        %get3A_1044 = arith.constant 112 : index
        %get3A_1045 = tpu.vector_load %arg5[%get3A_1043, %get3A_1044] {strides = array<i32>} : memref<400x128xf32, #tpu.memory_space<vmem>>, vector<16xf32>,
        %add3A_1046 = arith.constant 0 : i32
        %add3A_1047 = vector.broadcast %add3A_1046 : i32 to vector<16xi32>
        %add3A_1048 = arith.addi %iota3A, %add3A_1047 : vector<16xi32>
        tpu.vector_store_idx %arg7[%broadcast_in_dim3A_1005, %add3A_1048], %get3A_1010 {add = true} : memref<512x128xf32, #tpu.memory_space<vmem>>[vector<16xi32>, vector<16xi32>], vector<16xf32>,
        %add3A_1049 = arith.constant 16 : i32
        %add3A_1050 = vector.broadcast %add3A_1049 : i32 to vector<16xi32>
        %add3A_1051 = arith.addi %iota3A, %add3A_1050 : vector<16xi32>
        tpu.vector_store_idx %arg7[%broadcast_in_dim3A_1005, %add3A_1051], %get3A_1015 {add = true} : memref<512x128xf32, #tpu.memory_space<vmem>>[vector<16xi32>, vector<16xi32>], vector<16xf32>,
        %add3A_1052 = arith.constant 32 : i32
        %add3A_1053 = vector.broadcast %add3A_1052 : i32 to vector<16xi32>
        %add3A_1054 = arith.addi %iota3A, %add3A_1053 : vector<16xi32>
        tpu.vector_store_idx %arg7[%broadcast_in_dim3A_1005, %add3A_1054], %get3A_1020 {add = true} : memref<512x128xf32, #tpu.memory_space<vmem>>[vector<16xi32>, vector<16xi32>], vector<16xf32>,
        %add3A_1055 = arith.constant 48 : i32
        %add3A_1056 = vector.broadcast %add3A_1055 : i32 to vector<16xi32>
        %add3A_1057 = arith.addi %iota3A, %add3A_1056 : vector<16xi32>
        tpu.vector_store_idx %arg7[%broadcast_in_dim3A_1005, %add3A_1057], %get3A_1025 {add = true} : memref<512x128xf32, #tpu.memory_space<vmem>>[vector<16xi32>, vector<16xi32>], vector<16xf32>,
        %add3A_1058 = arith.constant 64 : i32
        %add3A_1059 = vector.broadcast %add3A_1058 : i32 to vector<16xi32>
        %add3A_1060 = arith.addi %iota3A, %add3A_1059 : vector<16xi32>
        tpu.vector_store_idx %arg7[%broadcast_in_dim3A_1005, %add3A_1060], %get3A_1030 {add = true} : memref<512x128xf32, #tpu.memory_space<vmem>>[vector<16xi32>, vector<16xi32>], vector<16xf32>,
        %add3A_1061 = arith.constant 80 : i32
        %add3A_1062 = vector.broadcast %add3A_1061 : i32 to vector<16xi32>
        %add3A_1063 = arith.addi %iota3A, %add3A_1062 : vector<16xi32>
        tpu.vector_store_idx %arg7[%broadcast_in_dim3A_1005, %add3A_1063], %get3A_1035 {add = true} : memref<512x128xf32, #tpu.memory_space<vmem>>[vector<16xi32>, vector<16xi32>], vector<16xf32>,
        %add3A_1064 = arith.constant 96 : i32
        %add3A_1065 = vector.broadcast %add3A_1064 : i32 to vector<16xi32>
        %add3A_1066 = arith.addi %iota3A, %add3A_1065 : vector<16xi32>
        tpu.vector_store_idx %arg7[%broadcast_in_dim3A_1005, %add3A_1066], %get3A_1040 {add = true} : memref<512x128xf32, #tpu.memory_space<vmem>>[vector<16xi32>, vector<16xi32>], vector<16xf32>,
        %add3A_1067 = arith.constant 112 : i32
        %add3A_1068 = vector.broadcast %add3A_1067 : i32 to vector<16xi32>
        %add3A_1069 = arith.addi %iota3A, %add3A_1068 : vector<16xi32>
        tpu.vector_store_idx %arg7[%broadcast_in_dim3A_1005, %add3A_1069], %get3A_1045 {add = true} : memref<512x128xf32, #tpu.memory_space<vmem>>[vector<16xi32>, vector<16xi32>], vector<16xf32>,
        %slice3A_1070 = vector.extract_strided_slice %get3A_67 {offsets = [15], sizes = [1], strides = [1]} : vector<16xi32> to vector<1xi32>
        %squeeze3A_1071 = vector.extract %slice3A_1070[0] : i32 from vector<1xi32>
        %broadcast_in_dim3A_1072 = vector.broadcast %squeeze3A_1071 : i32 to vector<16xi32>
        %add3A_1073 = arith.constant 15 : i32
        %add3A_1074 = arith.addi %add3A_63, %add3A_1073 : i32
        %get3A_1075 = arith.index_cast %add3A_1074 : i32 to index
        %get3A_1076 = arith.constant 0 : index
        %get3A_1077 = tpu.vector_load %arg5[%get3A_1075, %get3A_1076] {strides = array<i32>} : memref<400x128xf32, #tpu.memory_space<vmem>>, vector<16xf32>,
        %add3A_1078 = arith.constant 15 : i32
        %add3A_1079 = arith.addi %add3A_63, %add3A_1078 : i32
        %get3A_1080 = arith.index_cast %add3A_1079 : i32 to index
        %get3A_1081 = arith.constant 16 : index
        %get3A_1082 = tpu.vector_load %arg5[%get3A_1080, %get3A_1081] {strides = array<i32>} : memref<400x128xf32, #tpu.memory_space<vmem>>, vector<16xf32>,
        %add3A_1083 = arith.constant 15 : i32
        %add3A_1084 = arith.addi %add3A_63, %add3A_1083 : i32
        %get3A_1085 = arith.index_cast %add3A_1084 : i32 to index
        %get3A_1086 = arith.constant 32 : index
        %get3A_1087 = tpu.vector_load %arg5[%get3A_1085, %get3A_1086] {strides = array<i32>} : memref<400x128xf32, #tpu.memory_space<vmem>>, vector<16xf32>,
        %add3A_1088 = arith.constant 15 : i32
        %add3A_1089 = arith.addi %add3A_63, %add3A_1088 : i32
        %get3A_1090 = arith.index_cast %add3A_1089 : i32 to index
        %get3A_1091 = arith.constant 48 : index
        %get3A_1092 = tpu.vector_load %arg5[%get3A_1090, %get3A_1091] {strides = array<i32>} : memref<400x128xf32, #tpu.memory_space<vmem>>, vector<16xf32>,
        %add3A_1093 = arith.constant 15 : i32
        %add3A_1094 = arith.addi %add3A_63, %add3A_1093 : i32
        %get3A_1095 = arith.index_cast %add3A_1094 : i32 to index
        %get3A_1096 = arith.constant 64 : index
        %get3A_1097 = tpu.vector_load %arg5[%get3A_1095, %get3A_1096] {strides = array<i32>} : memref<400x128xf32, #tpu.memory_space<vmem>>, vector<16xf32>,
        %add3A_1098 = arith.constant 15 : i32
        %add3A_1099 = arith.addi %add3A_63, %add3A_1098 : i32
        %get3A_1100 = arith.index_cast %add3A_1099 : i32 to index
        %get3A_1101 = arith.constant 80 : index
        %get3A_1102 = tpu.vector_load %arg5[%get3A_1100, %get3A_1101] {strides = array<i32>} : memref<400x128xf32, #tpu.memory_space<vmem>>, vector<16xf32>,
        %add3A_1103 = arith.constant 15 : i32
        %add3A_1104 = arith.addi %add3A_63, %add3A_1103 : i32
        %get3A_1105 = arith.index_cast %add3A_1104 : i32 to index
        %get3A_1106 = arith.constant 96 : index
        %get3A_1107 = tpu.vector_load %arg5[%get3A_1105, %get3A_1106] {strides = array<i32>} : memref<400x128xf32, #tpu.memory_space<vmem>>, vector<16xf32>,
        %add3A_1108 = arith.constant 15 : i32
        %add3A_1109 = arith.addi %add3A_63, %add3A_1108 : i32
        %get3A_1110 = arith.index_cast %add3A_1109 : i32 to index
        %get3A_1111 = arith.constant 112 : index
        %get3A_1112 = tpu.vector_load %arg5[%get3A_1110, %get3A_1111] {strides = array<i32>} : memref<400x128xf32, #tpu.memory_space<vmem>>, vector<16xf32>,
        %add3A_1113 = arith.constant 0 : i32
        %add3A_1114 = vector.broadcast %add3A_1113 : i32 to vector<16xi32>
        %add3A_1115 = arith.addi %iota3A, %add3A_1114 : vector<16xi32>
        tpu.vector_store_idx %arg7[%broadcast_in_dim3A_1072, %add3A_1115], %get3A_1077 {add = true} : memref<512x128xf32, #tpu.memory_space<vmem>>[vector<16xi32>, vector<16xi32>], vector<16xf32>,
        %add3A_1116 = arith.constant 16 : i32
        %add3A_1117 = vector.broadcast %add3A_1116 : i32 to vector<16xi32>
        %add3A_1118 = arith.addi %iota3A, %add3A_1117 : vector<16xi32>
        tpu.vector_store_idx %arg7[%broadcast_in_dim3A_1072, %add3A_1118], %get3A_1082 {add = true} : memref<512x128xf32, #tpu.memory_space<vmem>>[vector<16xi32>, vector<16xi32>], vector<16xf32>,
        %add3A_1119 = arith.constant 32 : i32
        %add3A_1120 = vector.broadcast %add3A_1119 : i32 to vector<16xi32>
        %add3A_1121 = arith.addi %iota3A, %add3A_1120 : vector<16xi32>
        tpu.vector_store_idx %arg7[%broadcast_in_dim3A_1072, %add3A_1121], %get3A_1087 {add = true} : memref<512x128xf32, #tpu.memory_space<vmem>>[vector<16xi32>, vector<16xi32>], vector<16xf32>,
        %add3A_1122 = arith.constant 48 : i32
        %add3A_1123 = vector.broadcast %add3A_1122 : i32 to vector<16xi32>
        %add3A_1124 = arith.addi %iota3A, %add3A_1123 : vector<16xi32>
        tpu.vector_store_idx %arg7[%broadcast_in_dim3A_1072, %add3A_1124], %get3A_1092 {add = true} : memref<512x128xf32, #tpu.memory_space<vmem>>[vector<16xi32>, vector<16xi32>], vector<16xf32>,
        %add3A_1125 = arith.constant 64 : i32
        %add3A_1126 = vector.broadcast %add3A_1125 : i32 to vector<16xi32>
        %add3A_1127 = arith.addi %iota3A, %add3A_1126 : vector<16xi32>
        tpu.vector_store_idx %arg7[%broadcast_in_dim3A_1072, %add3A_1127], %get3A_1097 {add = true} : memref<512x128xf32, #tpu.memory_space<vmem>>[vector<16xi32>, vector<16xi32>], vector<16xf32>,
        %add3A_1128 = arith.constant 80 : i32
        %add3A_1129 = vector.broadcast %add3A_1128 : i32 to vector<16xi32>
        %add3A_1130 = arith.addi %iota3A, %add3A_1129 : vector<16xi32>
        tpu.vector_store_idx %arg7[%broadcast_in_dim3A_1072, %add3A_1130], %get3A_1102 {add = true} : memref<512x128xf32, #tpu.memory_space<vmem>>[vector<16xi32>, vector<16xi32>], vector<16xf32>,
        %add3A_1131 = arith.constant 96 : i32
        %add3A_1132 = vector.broadcast %add3A_1131 : i32 to vector<16xi32>
        %add3A_1133 = arith.addi %iota3A, %add3A_1132 : vector<16xi32>
        tpu.vector_store_idx %arg7[%broadcast_in_dim3A_1072, %add3A_1133], %get3A_1107 {add = true} : memref<512x128xf32, #tpu.memory_space<vmem>>[vector<16xi32>, vector<16xi32>], vector<16xf32>,
        %add3A_1134 = arith.constant 112 : i32
        %add3A_1135 = vector.broadcast %add3A_1134 : i32 to vector<16xi32>
        %add3A_1136 = arith.addi %iota3A, %add3A_1135 : vector<16xi32>
        tpu.vector_store_idx %arg7[%broadcast_in_dim3A_1072, %add3A_1136], %get3A_1112 {add = true} : memref<512x128xf32, #tpu.memory_space<vmem>>[vector<16xi32>, vector<16xi32>], vector<16xf32>,
      }
      %scan3A_58 = arith.constant 25 : i32
    }
    %scan3A_45 = arith.constant 5 : i32
    "tpu.region"() ({
      %run_scoped3A = tpu.sem_alloc : memref<!tpu.dma_semaphore, #tpu.memory_space<semaphore_mem>>
      %dma_start3A = arith.constant 0 : i32
      %dma_start3A_46 = tpu.memref_slice %arg4[%select_n3A_9, %dma_start3A, %mul3A_32] : memref<16x512x256xf32, #tpu.memory_space<hbm>> -> memref<1x512x128xf32, #tpu.memory_space<hbm>>
      %dma_start3A_47 = tpu.memref_squeeze %dma_start3A_46 : memref<1x512x128xf32, #tpu.memory_space<hbm>> -> memref<512x128xf32, #tpu.memory_space<hbm>>
      %dma_start3A_48 = arith.constant 0 : i32
      %dma_start3A_49 = tpu.memref_slice %arg4[%select_n3A_9, %dma_start3A_48, %mul3A_32] : memref<16x512x256xf32, #tpu.memory_space<hbm>> -> memref<1x512x128xf32, #tpu.memory_space<hbm>>
      %dma_start3A_50 = tpu.memref_squeeze %dma_start3A_49 : memref<1x512x128xf32, #tpu.memory_space<hbm>> -> memref<512x128xf32, #tpu.memory_space<hbm>>
      tpu.enqueue_dma source(%arg7 : memref<512x128xf32, #tpu.memory_space<vmem>>) target(%dma_start3A_50 : memref<512x128xf32, #tpu.memory_space<hbm>>) target_semaphore(%run_scoped3A : memref<!tpu.dma_semaphore, #tpu.memory_space<semaphore_mem>>)
      %dma_wait3A = arith.constant 0 : i32
      %dma_wait3A_51 = tpu.memref_slice %arg4[%select_n3A_9, %dma_wait3A, %mul3A_32] : memref<16x512x256xf32, #tpu.memory_space<hbm>> -> memref<1x512x128xf32, #tpu.memory_space<hbm>>
      %dma_wait3A_52 = tpu.memref_squeeze %dma_wait3A_51 : memref<1x512x128xf32, #tpu.memory_space<hbm>> -> memref<512x128xf32, #tpu.memory_space<hbm>>
      %dma_wait3A_53 = arith.constant 0 : i32
      %dma_wait3A_54 = tpu.memref_slice %arg4[%select_n3A_9, %dma_wait3A_53, %mul3A_32] : memref<16x512x256xf32, #tpu.memory_space<hbm>> -> memref<1x512x128xf32, #tpu.memory_space<hbm>>
      %dma_wait3A_55 = tpu.memref_squeeze %dma_wait3A_54 : memref<1x512x128xf32, #tpu.memory_space<hbm>> -> memref<512x128xf32, #tpu.memory_space<hbm>>
      tpu.wait_dma2 semaphore(%run_scoped3A : memref<!tpu.dma_semaphore, #tpu.memory_space<semaphore_mem>>) src(%arg7 : memref<512x128xf32, #tpu.memory_space<vmem>>) dst(%dma_wait3A_55 : memref<512x128xf32, #tpu.memory_space<hbm>>)
      tpu.yield
    }) : () -> ()
    return
  }
}

module attributes {stable_mosaic.version = 14 : i64} {
  func.func @body(%arg0: memref<16x512x256xf32, #tpu.memory_space<vmem>>, %arg1: memref<512x256xf32, #tpu.memory_space<vmem>>, %arg2: memref<10x256xf32, #tpu.memory_space<vmem>>, %arg3: memref<1x10xf32, #tpu.memory_space<vmem>>, %arg4: memref<512x10xf32, #tpu.memory_space<vmem>>) attributes {dimension_semantics = [], scalar_prefetch = 0 : i64, scratch_operands = 0 : i64, tpu.core_type = #tpu.core_type<tc>} {
    %get3A = arith.constant 0 : index
    %get3A_0 = arith.constant 0 : index
    %get3A_1 = arith.constant 0 : index
    %get3A_2 = vector.load %arg0[%get3A, %get3A_0, %get3A_1] : memref<16x512x256xf32, #tpu.memory_space<vmem>>, vector<16x512x256xf32>
    %reduce_sum3A = arith.constant dense<0.000000e+00> : vector<512x256xf32>
    %reduce_sum3A_3 = vector.multi_reduction <add>, %get3A_2, %reduce_sum3A [0] : vector<16x512x256xf32> to vector<512x256xf32>
    %get3A_4 = arith.constant 0 : index
    %get3A_5 = arith.constant 0 : index
    %get3A_6 = vector.load %arg1[%get3A_4, %get3A_5] : memref<512x256xf32, #tpu.memory_space<vmem>>, vector<512x256xf32>
    %add3A = arith.addf %reduce_sum3A_3, %get3A_6 : vector<512x256xf32>
    %get3A_7 = arith.constant 0 : index
    %get3A_8 = arith.constant 0 : index
    %get3A_9 = vector.load %arg2[%get3A_7, %get3A_8] : memref<10x256xf32, #tpu.memory_space<vmem>>, vector<10x256xf32>
    %dot_general3A = arith.constant dense<0.000000e+00> : vector<512x10xf32>
    %dot_general3A_10 = tpu.matmul %add3A, %get3A_9, %dot_general3A {dimension_numbers = #tpu.dot_dimension_numbers<[1], [1], [0], [0], [0, 0, 1, 0], [], []>, precision = #tpu.contract_precision<fp32>, transpose_lhs_hint = false} : vector<512x256xf32>, vector<10x256xf32>, vector<512x10xf32> -> vector<512x10xf32>
    %get3A_11 = arith.constant 0 : index
    %get3A_12 = arith.constant 0 : index
    %get3A_13 = vector.load %arg3[%get3A_11, %get3A_12] : memref<1x10xf32, #tpu.memory_space<vmem>>, vector<1x10xf32>
    %add3A_14 = vector.broadcast %get3A_13 : vector<1x10xf32> to vector<512x10xf32>
    %add3A_15 = arith.addf %dot_general3A_10, %add3A_14 : vector<512x10xf32>
    %reduce_max3A = arith.constant dense<0xFF800000> : vector<512xf32>
    %reduce_max3A_16 = vector.multi_reduction <maximumf>, %add3A_15, %reduce_max3A [1] : vector<512x10xf32> to vector<512xf32>
    %broadcast_in_dim3A = vector.shape_cast %reduce_max3A_16 : vector<512xf32> to vector<512x1xf32>
    %sub3A = vector.broadcast %broadcast_in_dim3A : vector<512x1xf32> to vector<512x10xf32>
    %sub3A_17 = arith.subf %add3A_15, %sub3A : vector<512x10xf32>
    %exp3A = math.exp %sub3A_17 : vector<512x10xf32>
    %reduce_sum3A_18 = arith.constant dense<0.000000e+00> : vector<512xf32>
    %reduce_sum3A_19 = vector.multi_reduction <add>, %exp3A, %reduce_sum3A_18 [1] : vector<512x10xf32> to vector<512xf32>
    %broadcast_in_dim3A_20 = vector.shape_cast %reduce_sum3A_19 : vector<512xf32> to vector<512x1xf32>
    %log3A = math.log %broadcast_in_dim3A_20 : vector<512x1xf32>
    %add3A_21 = arith.addf %log3A, %broadcast_in_dim3A : vector<512x1xf32>
    %sub3A_22 = vector.broadcast %add3A_21 : vector<512x1xf32> to vector<512x10xf32>
    %sub3A_23 = arith.subf %add3A_15, %sub3A_22 : vector<512x10xf32>
    %swap3A = arith.constant 0 : index
    %swap3A_24 = arith.constant 0 : index
    %swap3A_25 = vector.load %arg4[%swap3A, %swap3A_24] : memref<512x10xf32, #tpu.memory_space<vmem>>, vector<512x10xf32>
    tpu.vector_store %arg4[%swap3A, %swap3A_24], %sub3A_23 {strides = array<i32>} : memref<512x10xf32, #tpu.memory_space<vmem>>, vector<512x10xf32>,
    return
  }
}

module attributes {stable_mosaic.version = 14 : i64} {
  func.func @body(%arg0: i32, %arg1: memref<1x1x400xi32, #tpu.memory_space<vmem>>, %arg2: memref<400x256xf32, #tpu.memory_space<vmem>>, %arg3: memref<512x256xf32, #tpu.memory_space<vmem>>) attributes {dimension_semantics = [#tpu.dimension_semantics<arbitrary>], iteration_bounds = array<i64: 45>, scalar_prefetch = 0 : i64, scratch_operands = 0 : i64, tpu.core_type = #tpu.core_type<tc>, window_params = [{transform_indices = @transform_0, window_bounds = array<i64: 1, 1, 400>}, {transform_indices = @transform_1, window_bounds = array<i64: 400, 256>}, {pipeline_mode = #tpu.pipeline_mode<synchronous>, transform_indices = @transform_2, window_bounds = array<i64: 512, 256>}]} {
    %get3A = arith.constant 0 : index
    %get3A_0 = arith.constant 0 : index
    %get3A_1 = arith.constant 0 : index
    %get3A_2 = vector.load %arg1[%get3A, %get3A_0, %get3A_1] : memref<1x1x400xi32, #tpu.memory_space<vmem>>, vector<1x1x400xi32>
    %get3A_3 = vector.shape_cast %get3A_2 : vector<1x1x400xi32> to vector<400xi32>
    %broadcast_in_dim3A = vector.shape_cast %get3A_3 : vector<400xi32> to vector<400x1xi32>
    %iota3A = tpu.iota {dimensions = array<i32: 1>} : vector<400x512xi32>
    %eq3A = vector.broadcast %broadcast_in_dim3A : vector<400x1xi32> to vector<400x512xi32>
    %eq3A_4 = arith.cmpi eq, %eq3A, %iota3A : vector<400x512xi32>
    %convert_element_type3A = arith.extui %eq3A_4 : vector<400x512xi1> to vector<400x512xi32>
    %convert_element_type3A_5 = arith.sitofp %convert_element_type3A : vector<400x512xi32> to vector<400x512xf32>
    %convert_element_type3A_6 = arith.truncf %convert_element_type3A_5 : vector<400x512xf32> to vector<400x512xbf16>
    %get3A_7 = arith.constant 0 : index
    %get3A_8 = arith.constant 0 : index
    %get3A_9 = vector.load %arg2[%get3A_7, %get3A_8] : memref<400x256xf32, #tpu.memory_space<vmem>>, vector<400x256xf32>
    %convert_element_type3A_10 = arith.truncf %get3A_9 : vector<400x256xf32> to vector<400x256xbf16>
    %convert_element_type3A_11 = arith.extf %convert_element_type3A_10 : vector<400x256xbf16> to vector<400x256xf32>
    %sub3A = arith.subf %get3A_9, %convert_element_type3A_11 : vector<400x256xf32>
    %convert_element_type3A_12 = arith.truncf %sub3A : vector<400x256xf32> to vector<400x256xbf16>
    %dot_general3A = arith.constant dense<0.000000e+00> : vector<512x256xf32>
    %dot_general3A_13 = tpu.matmul %convert_element_type3A_6, %convert_element_type3A_10, %dot_general3A {dimension_numbers = #tpu.dot_dimension_numbers<[0], [0], [1], [1], [0, 1, 1, 1], [], []>, transpose_lhs_hint = false} : vector<400x512xbf16>, vector<400x256xbf16>, vector<512x256xf32> -> vector<512x256xf32>
    %dot_general3A_14 = arith.constant dense<0.000000e+00> : vector<512x256xf32>
    %dot_general3A_15 = tpu.matmul %convert_element_type3A_6, %convert_element_type3A_12, %dot_general3A_14 {dimension_numbers = #tpu.dot_dimension_numbers<[0], [0], [1], [1], [0, 1, 1, 1], [], []>, transpose_lhs_hint = false} : vector<400x512xbf16>, vector<400x256xbf16>, vector<512x256xf32> -> vector<512x256xf32>
    %add3A = arith.addf %dot_general3A_13, %dot_general3A_15 : vector<512x256xf32>
    %eq3A_16 = arith.constant 0 : i32
    %eq3A_17 = arith.cmpi eq, %arg0, %eq3A_16 : i32
    %convert_element_type3A_18 = arith.extui %eq3A_17 : i1 to i32
    %cond3A = arith.constant 0 : i32
    %cond3A_19 = arith.cmpi ne, %convert_element_type3A_18, %cond3A : i32
    scf.if %cond3A_19 {
      %swap3A = arith.constant 0 : index
      %swap3A_24 = arith.constant 0 : index
      %swap3A_25 = vector.load %arg3[%swap3A, %swap3A_24] : memref<512x256xf32, #tpu.memory_space<vmem>>, vector<512x256xf32>
      tpu.vector_store %arg3[%swap3A, %swap3A_24], %add3A {strides = array<i32>} : memref<512x256xf32, #tpu.memory_space<vmem>>, vector<512x256xf32>,
    } else {
    }
    %gt3A = arith.constant 0 : i32
    %gt3A_20 = arith.cmpi sgt, %arg0, %gt3A : i32
    %convert_element_type3A_21 = arith.extui %gt3A_20 : i1 to i32
    %cond3A_22 = arith.constant 0 : i32
    %cond3A_23 = arith.cmpi ne, %convert_element_type3A_21, %cond3A_22 : i32
    scf.if %cond3A_23 {
      %get3A_24 = arith.constant 0 : index
      %get3A_25 = arith.constant 0 : index
      %get3A_26 = vector.load %arg3[%get3A_24, %get3A_25] : memref<512x256xf32, #tpu.memory_space<vmem>>, vector<512x256xf32>
      %add3A_27 = arith.addf %get3A_26, %add3A : vector<512x256xf32>
      %swap3A = arith.constant 0 : index
      %swap3A_28 = arith.constant 0 : index
      %swap3A_29 = vector.load %arg3[%swap3A, %swap3A_28] : memref<512x256xf32, #tpu.memory_space<vmem>>, vector<512x256xf32>
      tpu.vector_store %arg3[%swap3A, %swap3A_28], %add3A_27 {strides = array<i32>} : memref<512x256xf32, #tpu.memory_space<vmem>>, vector<512x256xf32>,
    } else {
    }
    return
  }
  func.func @transform_0(%arg0: i32) -> (i32, i32, i32) {
    %add3A = arith.constant 80 : i32
    %add3A_0 = arith.addi %add3A, %arg0 : i32
    %c0_i32 = arith.constant 0 : i32
    %c0_i32_1 = arith.constant 0 : i32
    %c0_i32_2 = arith.constant 0 : i32
    return %add3A_0, %c0_i32, %c0_i32_1 : i32, i32, i32
  }
  func.func @transform_1(%arg0: i32) -> (i32, i32) {
    %add3A = arith.constant 80 : i32
    %add3A_0 = arith.addi %add3A, %arg0 : i32
    %c0_i32 = arith.constant 0 : i32
    %c0_i32_1 = arith.constant 0 : i32
    return %add3A_0, %c0_i32 : i32, i32
  }
  func.func @transform_2(%arg0: i32) -> (i32, i32) {
    %c0_i32 = arith.constant 0 : i32
    %c0_i32_0 = arith.constant 0 : i32
    %c0_i32_1 = arith.constant 0 : i32
    return %c0_i32, %c0_i32_0 : i32, i32
  }
}

</mosaic_0001>

<sc_bundles>
// kernel: kernel.5.cloned.1.call-start
scs
__scs_entry_jumppad:
0x0: {  	(pc) =	sbr.rel $0x88, $3  }
0x1: {  	(tag) =	ssettag $0x0;
	lr =	simm.s32 $0x1  }
0x2: {  	[smem:$0x3F9D] =	sst lr;
	_ =	strace $0xD0000000  }
0x3: {  	_ = 	snop  }
0x4: {  	_ = 	snop  }
0x5: {  	_ = 	snop  }
0x6: {  	_ = 	snop  }
0x7: {  	_ = 	snop  }
__scs_overlays_trampoline_lowered:
0x8: {  	[smem:$0x3FAC] =	sst s0  }
0x9: {  	[smem:$0x3FAD] =	sst s1  }
0xa: {  	[smem:$0x3FAE] =	sst s2  }
0xb: {  	[smem:$0x3FAF] =	sst s3  }
0xc: {  	[smem:$0x3FB0] =	sst s4  }
0xd: {  	[smem:$0x3FB1] =	sst s5  }
0xe: {  	[smem:$0x3FB2] =	sst s6  }
0xf: {  	[smem:$0x3FB3] =	sst s7  }
0x10: {  	[smem:$0x3FB4] =	sst s8  }
0x11: {  	[smem:$0x3FB5] =	sst s9;
	s0 =	simm.s32 @!p0 $0x0  }
0x12: {  	s1 =	sld [smem:$0x3F9B];
	s0 =	simm.s32 @p0 $0x1  }
0x13: {  	[smem:$0x3FB6] =	sst s0;
	s0 =	simm.s32 @!p1 $0x0  }
0x14: {  	s2 =	sld [smem:$0x3F9A];
	s0 =	simm.s32 @p1 $0x1  }
0x15: {  	[smem:$0x3FB7] =	sst s0;
	s0 =	simm.s32 @!p2 $0x0  }
0x16: {  	s3 =	sld [smem:$0x3FDB];
	s0 =	simm.s32 @p2 $0x1  }
0x17: {  	s4 =	simm.s32 $0x1BF5;
	[smem:$0x3FB9] =	sst s0  }
0x18: {  	s0 =	sld [smem:$0x3F9C];
	_ =	swait.ge [sflag:s4], $0x0  }
0x19: {  	s7 =	sld [smem:$0x3F9D]  }
0x1a: {  	s8 =	sadd.s32 $0xFFFFE003, lr  }
0x1b: {  	s9 =	sadd.s32 $0xFFFFFEF7, lr;
	s5 =	simm.s32 $0xFFFFFFFF;
	p2 =	slt.u32 s8, $0xFFFFF086  }
0x1c: {  	p1 =	slt.u32 s9, $0xF7A;
	s5 =	simm.s32 @!p2 $0x0  }
0x1d: {  	s5 =	simm.s32 @p1 $0x1;
	p0 =	seq.s32 s7, s2  }
0x1e: {  	s7 =	smul.u32 @!p0 $0xF7A, s2;
	p2 =	seq.s32 @!p0 s5, $0x0  }
0x1f: {  	s9 =	smul.u32 $0xF7A, s1;
	s8 =	simm.s32 @!p0 $0x1BF5;
	p2 =	por !p2, p0  }
0x20: {  	[sflag:s8] =	ssyncset.s32 @!p0 $0xFFFFF086;
	s6 =	sadd.s32 @!p0 s3, s7;
	s7 =	simm.s32 @!p0 $0x108  }
0x21: {  	s3 =	sadd.s32 s3, s9;
	s6 =	sadd.s32 @!p0 $0x88, s6;
	s7 =	simm.s32 @p2 $0x1082  }
0x22: {  	[simem:s7], [sflag:s8] =	dma.local @!p0 [hbm:s6], $0xF7A  }
0x23: {  	s9 =	sor.u32 $0xD0000000, s2;
	s6 =	simm.s32 $0x108;
	_ =	swait.ge @!p0 [sflag:s8], $0x0  }
0x24: {  	s3 =	sadd.s32 $0x88, s3;
	s6 =	simm.s32 @!p1 $0x1082;
	[sflag:s4] =	ssyncset.s32 $0xFFFFF086  }
0x25: {  	[simem:s6], [sflag:s4] =	dma.local [hbm:s3], $0xF7A  }
0x26: {  	[smem:$0x3F9D] =	sst s1;
	(tag) =	ssettag s2;
	_ =	strace s9  }
0x27: {  	s1 =	sld [smem:$0x3FAD]  }
0x28: {  	s2 =	sld [smem:$0x3FAE]  }
0x29: {  	s4 =	sld [smem:$0x3FB0]  }
0x2a: {  	p0 =	seq.s32 s5, $0x0;
	s5 =	sld [smem:$0x3FB1]  }
0x2b: {  	s6 =	sld [smem:$0x3FB2]  }
0x2c: {  	s7 =	sld [smem:$0x3FB3]  }
0x2d: {  	s3 =	simm.s32 $0x108;
	s8 =	sld [smem:$0x3FB4]  }
0x2e: {  	s3 =	simm.s32 @!p0 $0x1082;
	s9 =	sld [smem:$0x3FB5]  }
0x2f: {  	lr =	sadd.s32 s0, s3;
	s0 =	sld [smem:$0x3FAC]  }
0x30: {  	s3 =	sld [smem:$0x3FAF]  }
0x31: {  	[smem:$0x3FB8] =	sst s10  }
0x32: {  	s10 =	sld [smem:$0x3FB6];
	_ =	sdelay $0x3  }
0x33: {  	p0 =	seq.s32 s10, $0x1;
	s10 =	sld [smem:$0x3FB8];
	_ =	sdelay $0x3  }
0x34: {  	[smem:$0x3FB8] =	sst s10  }
0x35: {  	s10 =	sld [smem:$0x3FB7];
	_ =	sdelay $0x3  }
0x36: {  	p1 =	seq.s32 s10, $0x1;
	s10 =	sld [smem:$0x3FB8];
	_ =	sdelay $0x3  }
0x37: {  	[smem:$0x3FB8] =	sst s10  }
0x38: {  	s10 =	sld [smem:$0x3FB9]  }
0x39: {  	_ = 	snop;
	(pc) =	sbr.ind lr, $3  }
0x3a: {  	_ = 	snop  }
0x3b: {  	_ = 	snop  }
0x3c: {  	p2 =	seq.s32 s10, $0x1;
	s10 =	sld [smem:$0x3FB8]  }
0x3d: {  	_ =	shalt  }
0x3e: {  	_ =	shalt  }
0x3f: {  	_ =	shalt  }
0x40: {  	_ =	shalt  }
0x41: {  	_ =	shalt  }
0x42: {  	_ =	shalt  }
0x43: {  	_ =	shalt  }
0x44: {  	_ =	shalt  }
0x45: {  	_ =	shalt  }
0x46: {  	_ =	shalt  }
0x47: {  	_ =	shalt  }
0x48: {  	_ =	shalt  }
0x49: {  	_ =	shalt  }
0x4a: {  	_ =	shalt  }
0x4b: {  	_ =	shalt  }
0x4c: {  	_ =	shalt  }
0x4d: {  	_ =	shalt  }
0x4e: {  	_ =	shalt  }
0x4f: {  	_ =	shalt  }
0x50: {  	_ =	shalt  }
0x51: {  	_ =	shalt  }
0x52: {  	_ =	shalt  }
0x53: {  	_ =	shalt  }
0x54: {  	_ =	shalt  }
0x55: {  	_ =	shalt  }
0x56: {  	_ =	shalt  }
0x57: {  	_ =	shalt  }
0x58: {  	_ =	shalt  }
0x59: {  	_ =	shalt  }
0x5a: {  	_ =	shalt  }
0x5b: {  	_ =	shalt  }
0x5c: {  	_ =	shalt  }
0x5d: {  	_ =	shalt  }
0x5e: {  	_ =	shalt  }
0x5f: {  	_ =	shalt  }
0x60: {  	_ =	shalt  }
0x61: {  	_ =	shalt  }
0x62: {  	_ =	shalt  }
0x63: {  	_ =	shalt  }
0x64: {  	_ =	shalt  }
0x65: {  	_ =	shalt  }
0x66: {  	_ =	shalt  }
0x67: {  	_ =	shalt  }
0x68: {  	_ =	shalt  }
0x69: {  	_ =	shalt  }
0x6a: {  	_ =	shalt  }
0x6b: {  	_ =	shalt  }
0x6c: {  	_ =	shalt  }
0x6d: {  	_ =	shalt  }
0x6e: {  	_ =	shalt  }
0x6f: {  	_ =	shalt  }
0x70: {  	_ =	shalt  }
0x71: {  	_ =	shalt  }
0x72: {  	_ =	shalt  }
0x73: {  	_ =	shalt  }
0x74: {  	_ =	shalt  }
0x75: {  	_ =	shalt  }
0x76: {  	_ =	shalt  }
0x77: {  	_ =	shalt  }
0x78: {  	_ =	shalt  }
0x79: {  	_ =	shalt  }
0x7a: {  	_ =	shalt  }
0x7b: {  	_ =	shalt  }
0x7c: {  	_ =	shalt  }
0x7d: {  	_ =	shalt  }
0x7e: {  	_ =	shalt  }
0x7f: {  	_ =	shalt  }
0x80: {  	_ =	shalt  }
0x81: {  	_ =	shalt  }
0x82: {  	_ =	shalt  }
0x83: {  	_ =	shalt  }
0x84: {  	_ =	shalt  }
0x85: {  	_ =	shalt  }
0x86: {  	_ =	shalt  }
0x87: {  	_ =	shalt  }
.Lfunc_end0:
.L_simem_size_0:
called_computation_lowered:
.L_overlay_start_0:
0x88: {  	s2 =	sld [smem:$0x3FD9]  }
0x89: {  	s3 =	sld [smem:$0x3FFE];
	_ =	sdelay $0x1  }
0x8a: {  	s1 =	srdreg.scid  }
0x8b: {  	s0 =	sand.u32 $0x1, s1  }
0x8c: {  	s17 =	sshll.u32 s0, $0xA;
	s2 =	sadd.s32 s3, s2  }
0x8d: {  	s2 =	sadd.s32 s2, s17  }
0x8e: {  	[smem:$0x3FC4] =	sst s2  }
0x8f: {  	_ = 	snop  }
0x90: {  	s2 =	sld [smem:$0x3FC9]  }
0x91: {  	s18 =	sld [smem:$0x3FC8];
	(tm) =	ssettm $0x1  }
0x92: {  	s4 =	sld [smem:$0x3FFB];
	_ =	sdelay $0x3  }
0x93: {  	_ =	strace s4  }
0x94: {  	s4 =	sld [smem:$0x3FFC];
	_ =	sdelay $0x3  }
0x95: {  	_ =	strace s4  }
0x96: {  	s4 =	sld [smem:$0x3FFD];
	_ =	sdelay $0x3  }
0x97: {  	_ =	strace s4  }
0x98: {  	_ =	strace $0x8FFFFFFF  }
0x99: {  	s19 =	sld [smem:$0x3FDB];
	_ =	sdelay $0x1  }
0x9a: {  	s5 =	simm.s32 $_scs_section_size  }
0x9b: {  	s6 =	simm.s32 $_size__tile_overlayer_lowered;
	s7 =	simm.s32 $_tile_overlayer_lowered  }
0x9c: {  	s22 =	simm.s32 $0x1BFF;
	s21 =	sshll.u32 s7, $0x1;
	s4 =	sadd.s32 s5, s19  }
0x9d: {  	s8 =	simm.s32 $0x0;
	s20 =	sshll.u32 s6, $0x1;
	s6 =	sadd.s32 s21, s4  }
0x9e: {  	[timem:s8], [sflag:s22] =	dma.local [hbm:s6], s20  }
0x9f: {  	_ =	swait.ge [sflag:s22], s20  }
0xa0: {  	s5 =	ssub.s32 $0x0, s20;
	[sflag:s22] =	ssyncset.done $0x0  }
0xa1: {  	[sflag:s22] =	ssyncadd.s32 s5;
	_ =	sdelay $0x1  }
0xa2: {  	s23 =	simm.s32 $0x1B8B  }
0xa3: {  	_ =	swait.ge [sflag:s23], $0x1  }
0xa4: {  	[sflag:s23] =	ssyncset.done $0x0  }
0xa5: {  	s25 =	simm.s32 $0x1B8E;
	s24 =	sld [smem:$0x3FFE];
	[sflag:s23] =	ssyncadd.s32 $0xFFFFFFFF  }
0xa6: {  	s26 =	simm.s32 $execute0_lowered;
	[smem:$0x3FD2] =	sst s25  }
0xa7: {  	s6 =	sshll.u32 s26, $0x1;
	_ =	strace $0x80000046;
	[dreg:$0x1] =	wrdreg $0xFFFFFFFF  }
0xa8: {  	s28 =	simm.s32 $_size_execute0_lowered;
	s4 =	sadd.s32 s4, s6;
	[dreg:$0x0] =	wrdreg $0x0  }
0xa9: {  	s6 =	sshll.u32 s28, $0x1;
	[dreg:$0x2] =	wrdreg s4  }
0xaa: {  	[dreg:$0x3] =	wrdreg s6  }
0xab: {  	[dreg:$0x4] =	wrdreg $0xC0  }
0xac: {  	_ =	task [dreg:s8], $0x5FFFF  }
0xad: {  	[dreg:$0x1] =	wrdreg $0xFFFFFFFF  }
0xae: {  	[dreg:$0x0] =	wrdreg $0x60  }
0xaf: {  	[dreg:$0x2] =	wrdreg s2  }
0xb0: {  	[dreg:$0x3] =	wrdreg s18  }
0xb1: {  	[dreg:$0x4] =	wrdreg s24  }
0xb2: {  	[dreg:$0x5] =	wrdreg $0x9  }
0xb3: {  	_ =	task.clear_ibuf [dreg:s8], $0x6FFFF;
	_ =	strace $0x90000046  }
0xb4: {  	s29 =	simm.s32 $0x9;
	_ =	strace $0x80000048  }
0xb5: {  	_ =	swait.ge [sflag:s29], $0x1  }
0xb6: {  	[sflag:s29] =	ssyncadd.s32 $0xFFFFFFFF  }
0xb7: {  	_ =	strace $0x90000048  }
0xb8: {  	_ =	sfence  }
0xb9: {  	s30 =	sld [smem:$0x0];
	_ =	sdelay $0x2  }
0xba: {  	s31 =	sshll.u32 s1, $0xD;
	s1 =	sshrl.u32 s1, $0x2  }
0xbb: {  	s3 =	sand.u32 $0x4000, s31;
	s1 =	sadd.s32 s1, s30  }
0xbc: {  	s0 =	sor.u32 s3, s0;
	s1 =	sshll.u32 s1, $0x11  }
0xbd: {  	s0 =	sor.u32 s1, s0  }
0xbe: {  	s0 =	sadd.s32 $0x8F2B, s0  }
0xbf: {  	[sflag:s0] =	ssyncadd.remote.s32 $0x1  }
0xc0: {  	_ =	sfence.sel $0xFFFF  }
0xc1: {  	[dreg:$0x0] =	wrdreg $0xFFFFFFFF;
	(pc) =	sbr.abs _section_cstart, $3  }
0xc2: {  	[dreg:$0x1] =	wrdreg $0xFFFFFFFF  }
0xc3: {  	_ =	task.clear_ibuf [dreg:s8], $0x2FFFF;
	_ =	strace $0x9FFFFFFF  }
0xc4: {  	(tm) =	ssettm $0x7FFFFFFF  }
0xc5: {  	_ =	shalt  }
tec
execute0_lowered:
.L_overlay_start_1:
0x0: {  	(tag) =	ssettag $0x1  }
0x1: {  	s1 =	rddreg [dreg:$0x0]  }
0x2: {  	s5 =	rddreg [dreg:$0x1]  }
0x3: {  	s4 =	rddreg [dreg:$0x2]  }
0x4: {  	s0 =	rddreg [dreg:$0x3];
	s3 =	simm.s32 $0x0;
	s2 =	stileid.u32  }
0x5: {  	s6 =	srdreg.scid;
	s12 =	simm.s32 $0xD000;
	s13 =	simm.s32 $0x400  }
0x6: {  	s14 =	simm.s32 $0x0;
	[smem:$0x7FF] =	sst s3;
	s7 =	sshll.u32 s2, $0x1  }
0x7: {  	s6 =	sand.u32 $0x1, s6;
	s8 =	sshrl.u32 s2, $0x3;
	_ =	strace $0x80000047  }
0x8: {  	s7 =	sand.u32 $0xE, s7;
	s9 =	ssub.s32 $0x2, s6;
	s30 =	sshll.u32 s8, $0x7  }
0x9: {  	s6 =	sor.u32 s6, s7;
	s10 =	sshrl.u32 s9, $0x1;
	s7 =	sadd.s32 s30, s4  }
0xa: {  	v0 =	vlaneseq.u32;
	s11 =	smul.u32 $0xFA, s6;
	s9 =	ssub.s32 s9, s10;
	s31 =	sshll.u32 s6, $0xE  }
0xb: {  	v1 =	vimm.f32 $0.0e+00;
	v2 =	vor.u32 $0x10, v0;
	s4 =	smul.u32 $0x5, s6;
	s6 =	sshll.u32 s8, $0xA;
	s10 =	simm.s32 $0x1  }
0xc: {  	v3 =	vor.u32 $0x20, v0;
	v4 =	vor.u32 $0x30, v0;
	v5 =	vor.u32 $0x40, v0;
	s7 =	sadd.s32 s31, s7;
	s8 =	smax.u32 s9, $0x1;
	s9 =	simm.s32 $0xC800  }
0xd: {  	v6 =	vor.u32 $0x50, v0;
	v7 =	vor.u32 $0x60, v0;
	v8 =	vor.u32 $0x70, v0;
	s5 =	sadd.s32 s5, s11;
	s7 =	sadd.s32 $0xC00, s7;
	s11 =	simm.s32 $0x800  }
.LBB2_1:
0xe: {  	[tilespmem:s9], [sflag:$0x1] =	stream.linear.gather [hbm4b:s5+s3], $0x7D0, $0x38;
	[tilespmem:$0x1D000] =	vst v63  }
0xf: {  	_ =	swait.ge [sflag:s10], $0x7D0  }
0x10: {  	[sflag:s10] =	ssyncset.done $0x0  }
0x11: {  	s15 =	simm.s32 $0x0;
	s16 =	simm.s32 $0x200;
	[sflag:s10] =	ssyncadd.s32 $0xFFFFF830  }
.LBB2_2:
0x12: {  	p0 =	sne.s32 s16, $0x3FE00;
	[tilespmem:s15+$0xD070] =	vst v1  }
0x13: {  	[tilespmem:s15+$0xD000] =	vst v1  }
0x14: {  	[tilespmem:s15+$0xD010] =	vst v1  }
.Ltmp0:
0x15: {  	[tilespmem:s15+$0xD020] =	vst v1;
	(pc) =	sbr.rel @p0 .LBB2_2-.Ltmp0, $4  }
0x16: {  	[tilespmem:s15+$0xD030] =	vst v1  }
0x17: {  	[tilespmem:s15+$0xD040] =	vst v1  }
0x18: {  	[tilespmem:s15+$0xD050] =	vst v1  }
0x19: {  	[tilespmem:s15+$0xD060] =	vst v1;
	s15 =	sshra.s32 s16, $0x2;
	s16 =	sadd.s32 $0x200, s16  }
0x1a: {  	[tilespmem:s15+$0xD070] =	vst v1  }
0x1b: {  	[tilespmem:s15+$0xD000] =	vst v1  }
0x1c: {  	[tilespmem:s15+$0xD010] =	vst v1  }
0x1d: {  	[tilespmem:s15+$0xD020] =	vst v1  }
0x1e: {  	[tilespmem:s15+$0xD030] =	vst v1  }
0x1f: {  	[tilespmem:s15+$0xD040] =	vst v1  }
0x20: {  	[tilespmem:s15+$0xD050] =	vst v1  }
0x21: {  	[tilespmem:s15+$0xD060] =	vst v1;
	s15 =	simm.s32 $0x0;
	s16 =	simm.s32 $0xC800;
	s17 =	simm.s32 $0x0  }
.LBB2_4:
0x22: {  	s18 =	sadd.s32 s4, s17  }
0x23: {  	s18 =	smul.u32 $0x19000, s18;
	_ =	sdelay $0x1  }
0x24: {  	s18 =	sor.u32 s6, s18  }
0x25: {  	s18 =	sshrl.u32 s18, $0x3  }
0x26: {  	s19 =	sadd.s32 s1, s18;
	s18 =	simm.s32 $0x400  }
0x27: {  	v9 =	vmov s16;
	[tilespmem:s15], [sflag:$0x1] =	stream.strided.gather [hbm4b:s19+s18], $0xC800, s11, s18, $0x38;
	[tilespmem:$0x1D000] =	vst v63  }
0x28: {  	_ =	swait.ge [sflag:s10], $0xC800  }
0x29: {  	[sflag:s10] =	ssyncset.done $0x0  }
0x2a: {  	s19 =	simm.s32 $0x0;
	[sflag:s10] =	ssyncadd.s32 $0xFFFF3800  }
.LBB2_5:
0x2b: {  	s20 =	sshra.s32 s19, $0x2  }
0x2c: {  	v10 =	vld.idx.msk [tilespmem:v9+s20+$0x0 ss:$0x1], $0xffff;
	_ =	sdelay $0x4  }
0x2d: {  	v11 =	vld [tilespmem:s18+$0xFFFFFC00];
	v10 =	vshll.u32 v10, $0x7  }
0x2e: {  	v12 =	vld [tilespmem:s18+$0xFFFFFC10];
	v13 =	vbroadcast v10, $0x0  }
0x2f: {  	v14 =	vld [tilespmem:s18+$0xFFFFFC20]  }
0x30: {  	v15 =	vld [tilespmem:s18+$0xFFFFFC30];
	v16 =	vor.u32 v0, v13  }
0x31: {  	v17 =	vld [tilespmem:s18+$0xFFFFFC40];
	v18 =	vor.u32 v2, v13  }
0x32: {  	v19 =	vld [tilespmem:s18+$0xFFFFFC50];
	v20 =	vor.u32 v3, v13  }
0x33: {  	v21 =	vld [tilespmem:s18+$0xFFFFFC60];
	v22 =	vor.u32 v4, v13  }
0x34: {  	v23 =	vld [tilespmem:s18+$0xFFFFFC70];
	v24 =	vor.u32 v5, v13  }
0x35: {  	[tilespmem:v16+s12+$0x0] =	vst.idx.add.f32.msk $0xffff, v11;
	v11 =	vor.u32 v6, v13  }
0x36: {  	v31 =	vor.u32 v7, v13;
	[tilespmem:v18+s12+$0x0] =	vst.idx.add.f32.msk $0xffff, v12  }
0x37: {  	v13 =	vor.u32 v8, v13;
	[tilespmem:v20+s12+$0x0] =	vst.idx.add.f32.msk $0xffff, v14  }
0x38: {  	[tilespmem:v22+s12+$0x0] =	vst.idx.add.f32.msk $0xffff, v15  }
0x39: {  	[tilespmem:v24+s12+$0x0] =	vst.idx.add.f32.msk $0xffff, v17  }
0x3a: {  	[tilespmem:v11+s12+$0x0] =	vst.idx.add.f32.msk $0xffff, v19  }
0x3b: {  	[tilespmem:v31+s12+$0x0] =	vst.idx.add.f32.msk $0xffff, v21  }
0x3c: {  	[tilespmem:v13+s12+$0x0] =	vst.idx.add.f32.msk $0xffff, v23  }
0x3d: {  	v11 =	vld [tilespmem:s18+$0xFFFFFC80]  }
0x3e: {  	v32 =	vbroadcast v10, $0x1;
	v12 =	vld [tilespmem:s18+$0xFFFFFC90]  }
0x3f: {  	v14 =	vld [tilespmem:s18+$0xFFFFFCA0]  }
0x40: {  	v33 =	vor.u32 v0, v32;
	v15 =	vld [tilespmem:s18+$0xFFFFFCB0]  }
0x41: {  	v34 =	vor.u32 v2, v32;
	v17 =	vld [tilespmem:s18+$0xFFFFFCC0]  }
0x42: {  	v35 =	vor.u32 v3, v32;
	v19 =	vld [tilespmem:s18+$0xFFFFFCD0]  }
0x43: {  	v36 =	vor.u32 v4, v32;
	v21 =	vld [tilespmem:s18+$0xFFFFFCE0]  }
0x44: {  	v37 =	vor.u32 v5, v32;
	v23 =	vld [tilespmem:s18+$0xFFFFFCF0]  }
0x45: {  	[tilespmem:v33+s12+$0x0] =	vst.idx.add.f32.msk $0xffff, v11;
	v11 =	vor.u32 v6, v32  }
0x46: {  	v38 =	vor.u32 v7, v32;
	[tilespmem:v34+s12+$0x0] =	vst.idx.add.f32.msk $0xffff, v12  }
0x47: {  	v13 =	vor.u32 v8, v32;
	[tilespmem:v35+s12+$0x0] =	vst.idx.add.f32.msk $0xffff, v14  }
0x48: {  	[tilespmem:v36+s12+$0x0] =	vst.idx.add.f32.msk $0xffff, v15  }
0x49: {  	[tilespmem:v37+s12+$0x0] =	vst.idx.add.f32.msk $0xffff, v17  }
0x4a: {  	[tilespmem:v11+s12+$0x0] =	vst.idx.add.f32.msk $0xffff, v19  }
0x4b: {  	[tilespmem:v38+s12+$0x0] =	vst.idx.add.f32.msk $0xffff, v21  }
0x4c: {  	[tilespmem:v13+s12+$0x0] =	vst.idx.add.f32.msk $0xffff, v23  }
0x4d: {  	v11 =	vld [tilespmem:s18+$0xFFFFFD00]  }
0x4e: {  	v39 =	vbroadcast v10, $0x2;
	v12 =	vld [tilespmem:s18+$0xFFFFFD10]  }
0x4f: {  	v14 =	vld [tilespmem:s18+$0xFFFFFD20]  }
0x50: {  	v40 =	vor.u32 v0, v39;
	v15 =	vld [tilespmem:s18+$0xFFFFFD30]  }
0x51: {  	v41 =	vor.u32 v2, v39;
	v17 =	vld [tilespmem:s18+$0xFFFFFD40]  }
0x52: {  	v42 =	vor.u32 v3, v39;
	v19 =	vld [tilespmem:s18+$0xFFFFFD50]  }
0x53: {  	v43 =	vor.u32 v4, v39;
	v21 =	vld [tilespmem:s18+$0xFFFFFD60]  }
0x54: {  	v44 =	vor.u32 v5, v39;
	v23 =	vld [tilespmem:s18+$0xFFFFFD70]  }
0x55: {  	[tilespmem:v40+s12+$0x0] =	vst.idx.add.f32.msk $0xffff, v11;
	v11 =	vor.u32 v6, v39  }
0x56: {  	v45 =	vor.u32 v7, v39;
	[tilespmem:v41+s12+$0x0] =	vst.idx.add.f32.msk $0xffff, v12  }
0x57: {  	v13 =	vor.u32 v8, v39;
	[tilespmem:v42+s12+$0x0] =	vst.idx.add.f32.msk $0xffff, v14  }
0x58: {  	[tilespmem:v43+s12+$0x0] =	vst.idx.add.f32.msk $0xffff, v15  }
0x59: {  	[tilespmem:v44+s12+$0x0] =	vst.idx.add.f32.msk $0xffff, v17  }
0x5a: {  	[tilespmem:v11+s12+$0x0] =	vst.idx.add.f32.msk $0xffff, v19  }
0x5b: {  	[tilespmem:v45+s12+$0x0] =	vst.idx.add.f32.msk $0xffff, v21  }
0x5c: {  	[tilespmem:v13+s12+$0x0] =	vst.idx.add.f32.msk $0xffff, v23  }
0x5d: {  	v11 =	vld [tilespmem:s18+$0xFFFFFD80]  }
0x5e: {  	v46 =	vbroadcast v10, $0x3;
	v12 =	vld [tilespmem:s18+$0xFFFFFD90]  }
0x5f: {  	v14 =	vld [tilespmem:s18+$0xFFFFFDA0]  }
0x60: {  	v47 =	vor.u32 v0, v46;
	v15 =	vld [tilespmem:s18+$0xFFFFFDB0]  }
0x61: {  	v48 =	vor.u32 v2, v46;
	v17 =	vld [tilespmem:s18+$0xFFFFFDC0]  }
0x62: {  	v49 =	vor.u32 v3, v46;
	v19 =	vld [tilespmem:s18+$0xFFFFFDD0]  }
0x63: {  	v50 =	vor.u32 v4, v46;
	v21 =	vld [tilespmem:s18+$0xFFFFFDE0]  }
0x64: {  	v51 =	vor.u32 v5, v46;
	v23 =	vld [tilespmem:s18+$0xFFFFFDF0]  }
0x65: {  	[tilespmem:v47+s12+$0x0] =	vst.idx.add.f32.msk $0xffff, v11;
	v11 =	vor.u32 v6, v46  }
0x66: {  	v52 =	vor.u32 v7, v46;
	[tilespmem:v48+s12+$0x0] =	vst.idx.add.f32.msk $0xffff, v12  }
0x67: {  	v13 =	vor.u32 v8, v46;
	[tilespmem:v49+s12+$0x0] =	vst.idx.add.f32.msk $0xffff, v14  }
0x68: {  	[tilespmem:v50+s12+$0x0] =	vst.idx.add.f32.msk $0xffff, v15  }
0x69: {  	[tilespmem:v51+s12+$0x0] =	vst.idx.add.f32.msk $0xffff, v17  }
0x6a: {  	[tilespmem:v11+s12+$0x0] =	vst.idx.add.f32.msk $0xffff, v19  }
0x6b: {  	[tilespmem:v52+s12+$0x0] =	vst.idx.add.f32.msk $0xffff, v21  }
0x6c: {  	[tilespmem:v13+s12+$0x0] =	vst.idx.add.f32.msk $0xffff, v23  }
0x6d: {  	v11 =	vld [tilespmem:s18+$0xFFFFFE00]  }
0x6e: {  	v53 =	vbroadcast v10, $0x4;
	v12 =	vld [tilespmem:s18+$0xFFFFFE10]  }
0x6f: {  	v14 =	vld [tilespmem:s18+$0xFFFFFE20]  }
0x70: {  	v54 =	vor.u32 v0, v53;
	v15 =	vld [tilespmem:s18+$0xFFFFFE30]  }
0x71: {  	v55 =	vor.u32 v2, v53;
	v17 =	vld [tilespmem:s18+$0xFFFFFE40]  }
0x72: {  	v56 =	vor.u32 v3, v53;
	v19 =	vld [tilespmem:s18+$0xFFFFFE50]  }
0x73: {  	v57 =	vor.u32 v4, v53;
	v21 =	vld [tilespmem:s18+$0xFFFFFE60]  }
0x74: {  	v58 =	vor.u32 v5, v53;
	v23 =	vld [tilespmem:s18+$0xFFFFFE70]  }
0x75: {  	[tilespmem:v54+s12+$0x0] =	vst.idx.add.f32.msk $0xffff, v11;
	v11 =	vor.u32 v6, v53  }
0x76: {  	v59 =	vor.u32 v7, v53;
	[tilespmem:v55+s12+$0x0] =	vst.idx.add.f32.msk $0xffff, v12  }
0x77: {  	v13 =	vor.u32 v8, v53;
	[tilespmem:v56+s12+$0x0] =	vst.idx.add.f32.msk $0xffff, v14  }
0x78: {  	[tilespmem:v57+s12+$0x0] =	vst.idx.add.f32.msk $0xffff, v15  }
0x79: {  	[tilespmem:v58+s12+$0x0] =	vst.idx.add.f32.msk $0xffff, v17  }
0x7a: {  	[tilespmem:v11+s12+$0x0] =	vst.idx.add.f32.msk $0xffff, v19  }
0x7b: {  	[tilespmem:v59+s12+$0x0] =	vst.idx.add.f32.msk $0xffff, v21  }
0x7c: {  	[tilespmem:v13+s12+$0x0] =	vst.idx.add.f32.msk $0xffff, v23  }
0x7d: {  	v11 =	vld [tilespmem:s18+$0xFFFFFE80]  }
0x7e: {  	v60 =	vbroadcast v10, $0x5;
	v12 =	vld [tilespmem:s18+$0xFFFFFE90]  }
0x7f: {  	v14 =	vld [tilespmem:s18+$0xFFFFFEA0]  }
0x80: {  	v61 =	vor.u32 v0, v60;
	v15 =	vld [tilespmem:s18+$0xFFFFFEB0]  }
0x81: {  	v62 =	vor.u32 v2, v60;
	v17 =	vld [tilespmem:s18+$0xFFFFFEC0]  }
0x82: {  	v63 =	vor.u32 v3, v60;
	v19 =	vld [tilespmem:s18+$0xFFFFFED0]  }
0x83: {  	v28 =	vor.u32 v4, v60;
	v21 =	vld [tilespmem:s18+$0xFFFFFEE0]  }
0x84: {  	v29 =	vor.u32 v5, v60;
	v23 =	vld [tilespmem:s18+$0xFFFFFEF0]  }
0x85: {  	[tilespmem:v61+s12+$0x0] =	vst.idx.add.f32.msk $0xffff, v11;
	v11 =	vor.u32 v6, v60  }
0x86: {  	v30 =	vor.u32 v7, v60;
	[tilespmem:v62+s12+$0x0] =	vst.idx.add.f32.msk $0xffff, v12  }
0x87: {  	v13 =	vor.u32 v8, v60;
	[tilespmem:v63+s12+$0x0] =	vst.idx.add.f32.msk $0xffff, v14  }
0x88: {  	[tilespmem:v28+s12+$0x0] =	vst.idx.add.f32.msk $0xffff, v15  }
0x89: {  	[tilespmem:v29+s12+$0x0] =	vst.idx.add.f32.msk $0xffff, v17  }
0x8a: {  	[tilespmem:v11+s12+$0x0] =	vst.idx.add.f32.msk $0xffff, v19  }
0x8b: {  	[tilespmem:v30+s12+$0x0] =	vst.idx.add.f32.msk $0xffff, v21  }
0x8c: {  	[tilespmem:v13+s12+$0x0] =	vst.idx.add.f32.msk $0xffff, v23  }
0x8d: {  	v11 =	vld [tilespmem:s18+$0xFFFFFF00]  }
0x8e: {  	v31 =	vbroadcast v10, $0x6;
	v12 =	vld [tilespmem:s18+$0xFFFFFF10]  }
0x8f: {  	v14 =	vld [tilespmem:s18+$0xFFFFFF20]  }
0x90: {  	v32 =	vor.u32 v0, v31;
	v15 =	vld [tilespmem:s18+$0xFFFFFF30]  }
0x91: {  	v33 =	vor.u32 v2, v31;
	v17 =	vld [tilespmem:s18+$0xFFFFFF40]  }
0x92: {  	v34 =	vor.u32 v3, v31;
	v19 =	vld [tilespmem:s18+$0xFFFFFF50]  }
0x93: {  	v35 =	vor.u32 v4, v31;
	v21 =	vld [tilespmem:s18+$0xFFFFFF60]  }
0x94: {  	v36 =	vor.u32 v5, v31;
	v23 =	vld [tilespmem:s18+$0xFFFFFF70]  }
0x95: {  	[tilespmem:v32+s12+$0x0] =	vst.idx.add.f32.msk $0xffff, v11;
	v11 =	vor.u32 v6, v31  }
0x96: {  	v37 =	vor.u32 v7, v31;
	[tilespmem:v33+s12+$0x0] =	vst.idx.add.f32.msk $0xffff, v12  }
0x97: {  	v13 =	vor.u32 v8, v31;
	[tilespmem:v34+s12+$0x0] =	vst.idx.add.f32.msk $0xffff, v14  }
0x98: {  	[tilespmem:v35+s12+$0x0] =	vst.idx.add.f32.msk $0xffff, v15  }
0x99: {  	[tilespmem:v36+s12+$0x0] =	vst.idx.add.f32.msk $0xffff, v17  }
0x9a: {  	[tilespmem:v11+s12+$0x0] =	vst.idx.add.f32.msk $0xffff, v19  }
0x9b: {  	[tilespmem:v37+s12+$0x0] =	vst.idx.add.f32.msk $0xffff, v21  }
0x9c: {  	[tilespmem:v13+s12+$0x0] =	vst.idx.add.f32.msk $0xffff, v23  }
0x9d: {  	v11 =	vld [tilespmem:s18+$0xFFFFFF80]  }
0x9e: {  	v38 =	vbroadcast v10, $0x7;
	v12 =	vld [tilespmem:s18+$0xFFFFFF90]  }
0x9f: {  	v14 =	vld [tilespmem:s18+$0xFFFFFFA0]  }
0xa0: {  	v39 =	vor.u32 v0, v38;
	v15 =	vld [tilespmem:s18+$0xFFFFFFB0]  }
0xa1: {  	v40 =	vor.u32 v2, v38;
	v17 =	vld [tilespmem:s18+$0xFFFFFFC0]  }
0xa2: {  	v41 =	vor.u32 v3, v38;
	v19 =	vld [tilespmem:s18+$0xFFFFFFD0]  }
0xa3: {  	v42 =	vor.u32 v4, v38;
	v21 =	vld [tilespmem:s18+$0xFFFFFFE0]  }
0xa4: {  	v43 =	vor.u32 v5, v38;
	v23 =	vld [tilespmem:s18+$0xFFFFFFF0]  }
0xa5: {  	[tilespmem:v39+s12+$0x0] =	vst.idx.add.f32.msk $0xffff, v11;
	v11 =	vor.u32 v6, v38  }
0xa6: {  	v44 =	vor.u32 v7, v38;
	[tilespmem:v40+s12+$0x0] =	vst.idx.add.f32.msk $0xffff, v12  }
0xa7: {  	v13 =	vor.u32 v8, v38;
	[tilespmem:v41+s12+$0x0] =	vst.idx.add.f32.msk $0xffff, v14  }
0xa8: {  	[tilespmem:v42+s12+$0x0] =	vst.idx.add.f32.msk $0xffff, v15  }
0xa9: {  	[tilespmem:v43+s12+$0x0] =	vst.idx.add.f32.msk $0xffff, v17  }
0xaa: {  	[tilespmem:v11+s12+$0x0] =	vst.idx.add.f32.msk $0xffff, v19  }
0xab: {  	[tilespmem:v44+s12+$0x0] =	vst.idx.add.f32.msk $0xffff, v21  }
0xac: {  	[tilespmem:v13+s12+$0x0] =	vst.idx.add.f32.msk $0xffff, v23  }
0xad: {  	v11 =	vld [tilespmem:s18+$0x0]  }
0xae: {  	v45 =	vbroadcast v10, $0x8;
	v12 =	vld [tilespmem:s18+$0x10]  }
0xaf: {  	v14 =	vld [tilespmem:s18+$0x20]  }
0xb0: {  	v46 =	vor.u32 v0, v45;
	v15 =	vld [tilespmem:s18+$0x30]  }
0xb1: {  	v47 =	vor.u32 v2, v45;
	v17 =	vld [tilespmem:s18+$0x40]  }
0xb2: {  	v48 =	vor.u32 v3, v45;
	v19 =	vld [tilespmem:s18+$0x50]  }
0xb3: {  	v49 =	vor.u32 v4, v45;
	v21 =	vld [tilespmem:s18+$0x60]  }
0xb4: {  	v50 =	vor.u32 v5, v45;
	v23 =	vld [tilespmem:s18+$0x70]  }
0xb5: {  	[tilespmem:v46+s12+$0x0] =	vst.idx.add.f32.msk $0xffff, v11;
	v11 =	vor.u32 v6, v45  }
0xb6: {  	v51 =	vor.u32 v7, v45;
	[tilespmem:v47+s12+$0x0] =	vst.idx.add.f32.msk $0xffff, v12  }
0xb7: {  	v13 =	vor.u32 v8, v45;
	[tilespmem:v48+s12+$0x0] =	vst.idx.add.f32.msk $0xffff, v14  }
0xb8: {  	[tilespmem:v49+s12+$0x0] =	vst.idx.add.f32.msk $0xffff, v15  }
0xb9: {  	[tilespmem:v50+s12+$0x0] =	vst.idx.add.f32.msk $0xffff, v17  }
0xba: {  	[tilespmem:v11+s12+$0x0] =	vst.idx.add.f32.msk $0xffff, v19  }
0xbb: {  	[tilespmem:v51+s12+$0x0] =	vst.idx.add.f32.msk $0xffff, v21  }
0xbc: {  	[tilespmem:v13+s12+$0x0] =	vst.idx.add.f32.msk $0xffff, v23  }
0xbd: {  	v11 =	vld [tilespmem:s18+$0x80]  }
0xbe: {  	v52 =	vbroadcast v10, $0x9;
	v12 =	vld [tilespmem:s18+$0x90]  }
0xbf: {  	v14 =	vld [tilespmem:s18+$0xA0]  }
0xc0: {  	v53 =	vor.u32 v0, v52;
	v15 =	vld [tilespmem:s18+$0xB0]  }
0xc1: {  	v54 =	vor.u32 v2, v52;
	v17 =	vld [tilespmem:s18+$0xC0]  }
0xc2: {  	v55 =	vor.u32 v3, v52;
	v19 =	vld [tilespmem:s18+$0xD0]  }
0xc3: {  	v56 =	vor.u32 v4, v52;
	v21 =	vld [tilespmem:s18+$0xE0]  }
0xc4: {  	v57 =	vor.u32 v5, v52;
	v23 =	vld [tilespmem:s18+$0xF0]  }
0xc5: {  	[tilespmem:v53+s12+$0x0] =	vst.idx.add.f32.msk $0xffff, v11;
	v11 =	vor.u32 v6, v52  }
0xc6: {  	v58 =	vor.u32 v7, v52;
	[tilespmem:v54+s12+$0x0] =	vst.idx.add.f32.msk $0xffff, v12  }
0xc7: {  	v13 =	vor.u32 v8, v52;
	[tilespmem:v55+s12+$0x0] =	vst.idx.add.f32.msk $0xffff, v14  }
0xc8: {  	[tilespmem:v56+s12+$0x0] =	vst.idx.add.f32.msk $0xffff, v15  }
0xc9: {  	[tilespmem:v57+s12+$0x0] =	vst.idx.add.f32.msk $0xffff, v17  }
0xca: {  	[tilespmem:v11+s12+$0x0] =	vst.idx.add.f32.msk $0xffff, v19  }
0xcb: {  	[tilespmem:v58+s12+$0x0] =	vst.idx.add.f32.msk $0xffff, v21  }
0xcc: {  	[tilespmem:v13+s12+$0x0] =	vst.idx.add.f32.msk $0xffff, v23  }
0xcd: {  	v11 =	vld [tilespmem:s18+$0x100]  }
0xce: {  	v59 =	vbroadcast v10, $0xA;
	v12 =	vld [tilespmem:s18+$0x110]  }
0xcf: {  	v14 =	vld [tilespmem:s18+$0x120]  }
0xd0: {  	v60 =	vor.u32 v0, v59;
	v15 =	vld [tilespmem:s18+$0x130]  }
0xd1: {  	v61 =	vor.u32 v2, v59;
	v17 =	vld [tilespmem:s18+$0x140]  }
0xd2: {  	v62 =	vor.u32 v3, v59;
	v19 =	vld [tilespmem:s18+$0x150]  }
0xd3: {  	v63 =	vor.u32 v4, v59;
	v21 =	vld [tilespmem:s18+$0x160]  }
0xd4: {  	v28 =	vor.u32 v5, v59;
	v23 =	vld [tilespmem:s18+$0x170]  }
0xd5: {  	[tilespmem:v60+s12+$0x0] =	vst.idx.add.f32.msk $0xffff, v11;
	v11 =	vor.u32 v6, v59  }
0xd6: {  	v29 =	vor.u32 v7, v59;
	[tilespmem:v61+s12+$0x0] =	vst.idx.add.f32.msk $0xffff, v12  }
0xd7: {  	v13 =	vor.u32 v8, v59;
	[tilespmem:v62+s12+$0x0] =	vst.idx.add.f32.msk $0xffff, v14  }
0xd8: {  	[tilespmem:v63+s12+$0x0] =	vst.idx.add.f32.msk $0xffff, v15  }
0xd9: {  	[tilespmem:v28+s12+$0x0] =	vst.idx.add.f32.msk $0xffff, v17  }
0xda: {  	[tilespmem:v11+s12+$0x0] =	vst.idx.add.f32.msk $0xffff, v19  }
0xdb: {  	[tilespmem:v29+s12+$0x0] =	vst.idx.add.f32.msk $0xffff, v21  }
0xdc: {  	[tilespmem:v13+s12+$0x0] =	vst.idx.add.f32.msk $0xffff, v23  }
0xdd: {  	v11 =	vld [tilespmem:s18+$0x180]  }
0xde: {  	v30 =	vbroadcast v10, $0xB;
	v12 =	vld [tilespmem:s18+$0x190]  }
0xdf: {  	v14 =	vld [tilespmem:s18+$0x1A0]  }
0xe0: {  	v31 =	vor.u32 v0, v30;
	v15 =	vld [tilespmem:s18+$0x1B0]  }
0xe1: {  	v32 =	vor.u32 v2, v30;
	v17 =	vld [tilespmem:s18+$0x1C0]  }
0xe2: {  	v33 =	vor.u32 v3, v30;
	v19 =	vld [tilespmem:s18+$0x1D0]  }
0xe3: {  	v34 =	vor.u32 v4, v30;
	v21 =	vld [tilespmem:s18+$0x1E0]  }
0xe4: {  	v35 =	vor.u32 v5, v30;
	v23 =	vld [tilespmem:s18+$0x1F0]  }
0xe5: {  	[tilespmem:v31+s12+$0x0] =	vst.idx.add.f32.msk $0xffff, v11;
	v11 =	vor.u32 v6, v30  }
0xe6: {  	v36 =	vor.u32 v7, v30;
	[tilespmem:v32+s12+$0x0] =	vst.idx.add.f32.msk $0xffff, v12  }
0xe7: {  	v13 =	vor.u32 v8, v30;
	[tilespmem:v33+s12+$0x0] =	vst.idx.add.f32.msk $0xffff, v14  }
0xe8: {  	[tilespmem:v34+s12+$0x0] =	vst.idx.add.f32.msk $0xffff, v15  }
0xe9: {  	[tilespmem:v35+s12+$0x0] =	vst.idx.add.f32.msk $0xffff, v17  }
0xea: {  	[tilespmem:v11+s12+$0x0] =	vst.idx.add.f32.msk $0xffff, v19  }
0xeb: {  	[tilespmem:v36+s12+$0x0] =	vst.idx.add.f32.msk $0xffff, v21  }
0xec: {  	[tilespmem:v13+s12+$0x0] =	vst.idx.add.f32.msk $0xffff, v23  }
0xed: {  	v11 =	vld [tilespmem:s18+$0x200]  }
0xee: {  	v37 =	vbroadcast v10, $0xC;
	v12 =	vld [tilespmem:s18+$0x210]  }
0xef: {  	v14 =	vld [tilespmem:s18+$0x220]  }
0xf0: {  	v38 =	vor.u32 v0, v37;
	v15 =	vld [tilespmem:s18+$0x230]  }
0xf1: {  	v39 =	vor.u32 v2, v37;
	v17 =	vld [tilespmem:s18+$0x240]  }
0xf2: {  	v40 =	vor.u32 v3, v37;
	v19 =	vld [tilespmem:s18+$0x250]  }
0xf3: {  	v41 =	vor.u32 v4, v37;
	v21 =	vld [tilespmem:s18+$0x260]  }
0xf4: {  	v42 =	vor.u32 v5, v37;
	v23 =	vld [tilespmem:s18+$0x270]  }
0xf5: {  	[tilespmem:v38+s12+$0x0] =	vst.idx.add.f32.msk $0xffff, v11;
	v11 =	vor.u32 v6, v37  }
0xf6: {  	v43 =	vor.u32 v7, v37;
	[tilespmem:v39+s12+$0x0] =	vst.idx.add.f32.msk $0xffff, v12  }
0xf7: {  	v13 =	vor.u32 v8, v37;
	[tilespmem:v40+s12+$0x0] =	vst.idx.add.f32.msk $0xffff, v14  }
0xf8: {  	[tilespmem:v41+s12+$0x0] =	vst.idx.add.f32.msk $0xffff, v15  }
0xf9: {  	[tilespmem:v42+s12+$0x0] =	vst.idx.add.f32.msk $0xffff, v17  }
0xfa: {  	[tilespmem:v11+s12+$0x0] =	vst.idx.add.f32.msk $0xffff, v19  }
0xfb: {  	[tilespmem:v43+s12+$0x0] =	vst.idx.add.f32.msk $0xffff, v21  }
0xfc: {  	[tilespmem:v13+s12+$0x0] =	vst.idx.add.f32.msk $0xffff, v23  }
0xfd: {  	v11 =	vld [tilespmem:s18+$0x280]  }
0xfe: {  	v44 =	vbroadcast v10, $0xD;
	v12 =	vld [tilespmem:s18+$0x290]  }
0xff: {  	v14 =	vld [tilespmem:s18+$0x2A0]  }
0x100: {  	v45 =	vor.u32 v0, v44;
	v15 =	vld [tilespmem:s18+$0x2B0]  }
0x101: {  	v46 =	vor.u32 v2, v44;
	v17 =	vld [tilespmem:s18+$0x2C0]  }
0x102: {  	v47 =	vor.u32 v3, v44;
	v19 =	vld [tilespmem:s18+$0x2D0]  }
0x103: {  	v48 =	vor.u32 v4, v44;
	v21 =	vld [tilespmem:s18+$0x2E0]  }
0x104: {  	v49 =	vor.u32 v5, v44;
	v23 =	vld [tilespmem:s18+$0x2F0]  }
0x105: {  	[tilespmem:v45+s12+$0x0] =	vst.idx.add.f32.msk $0xffff, v11;
	v11 =	vor.u32 v6, v44  }
0x106: {  	v50 =	vor.u32 v7, v44;
	[tilespmem:v46+s12+$0x0] =	vst.idx.add.f32.msk $0xffff, v12  }
0x107: {  	v13 =	vor.u32 v8, v44;
	[tilespmem:v47+s12+$0x0] =	vst.idx.add.f32.msk $0xffff, v14  }
0x108: {  	[tilespmem:v48+s12+$0x0] =	vst.idx.add.f32.msk $0xffff, v15  }
0x109: {  	[tilespmem:v49+s12+$0x0] =	vst.idx.add.f32.msk $0xffff, v17  }
0x10a: {  	[tilespmem:v11+s12+$0x0] =	vst.idx.add.f32.msk $0xffff, v19  }
0x10b: {  	[tilespmem:v50+s12+$0x0] =	vst.idx.add.f32.msk $0xffff, v21  }
0x10c: {  	[tilespmem:v13+s12+$0x0] =	vst.idx.add.f32.msk $0xffff, v23  }
0x10d: {  	v11 =	vld [tilespmem:s18+$0x300]  }
0x10e: {  	v51 =	vbroadcast v10, $0xE;
	v12 =	vld [tilespmem:s18+$0x310]  }
0x10f: {  	v14 =	vld [tilespmem:s18+$0x320]  }
0x110: {  	v52 =	vor.u32 v0, v51;
	v15 =	vld [tilespmem:s18+$0x330]  }
0x111: {  	v53 =	vor.u32 v2, v51;
	v17 =	vld [tilespmem:s18+$0x340]  }
0x112: {  	v54 =	vor.u32 v3, v51;
	v19 =	vld [tilespmem:s18+$0x350]  }
0x113: {  	v55 =	vor.u32 v4, v51;
	v21 =	vld [tilespmem:s18+$0x360]  }
0x114: {  	v56 =	vor.u32 v5, v51;
	v23 =	vld [tilespmem:s18+$0x370]  }
0x115: {  	[tilespmem:v52+s12+$0x0] =	vst.idx.add.f32.msk $0xffff, v11;
	v11 =	vor.u32 v6, v51  }
0x116: {  	v57 =	vor.u32 v7, v51;
	[tilespmem:v53+s12+$0x0] =	vst.idx.add.f32.msk $0xffff, v12  }
0x117: {  	v13 =	vor.u32 v8, v51;
	[tilespmem:v54+s12+$0x0] =	vst.idx.add.f32.msk $0xffff, v14  }
0x118: {  	[tilespmem:v55+s12+$0x0] =	vst.idx.add.f32.msk $0xffff, v15  }
0x119: {  	[tilespmem:v56+s12+$0x0] =	vst.idx.add.f32.msk $0xffff, v17  }
0x11a: {  	[tilespmem:v11+s12+$0x0] =	vst.idx.add.f32.msk $0xffff, v19  }
0x11b: {  	[tilespmem:v57+s12+$0x0] =	vst.idx.add.f32.msk $0xffff, v21  }
0x11c: {  	[tilespmem:v13+s12+$0x0] =	vst.idx.add.f32.msk $0xffff, v23  }
0x11d: {  	v11 =	vld [tilespmem:s18+$0x380]  }
0x11e: {  	v10 =	vbroadcast v10, $0xF;
	v12 =	vld [tilespmem:s18+$0x390]  }
0x11f: {  	v13 =	vld [tilespmem:s18+$0x3A0]  }
0x120: {  	v58 =	vor.u32 v0, v10;
	v14 =	vld [tilespmem:s18+$0x3B0]  }
0x121: {  	v59 =	vor.u32 v2, v10;
	v16 =	vld [tilespmem:s18+$0x3C0]  }
0x122: {  	v60 =	vor.u32 v3, v10;
	v18 =	vld [tilespmem:s18+$0x3D0]  }
0x123: {  	v61 =	vor.u32 v4, v10;
	v20 =	vld [tilespmem:s18+$0x3E0]  }
0x124: {  	v62 =	vor.u32 v5, v10;
	v22 =	vld [tilespmem:s18+$0x3F0]  }
0x125: {  	[tilespmem:v58+s12+$0x0] =	vst.idx.add.f32.msk $0xffff, v11;
	v11 =	vor.u32 v6, v10  }
0x126: {  	v63 =	vor.u32 v7, v10;
	[tilespmem:v59+s12+$0x0] =	vst.idx.add.f32.msk $0xffff, v12  }
0x127: {  	p0 =	sne.s32 s19, $0x600;
	v10 =	vor.u32 v8, v10;
	[tilespmem:v60+s12+$0x0] =	vst.idx.add.f32.msk $0xffff, v13  }
.Ltmp1:
0x128: {  	[tilespmem:v61+s12+$0x0] =	vst.idx.add.f32.msk $0xffff, v14;
	(pc) =	sbr.rel @p0 .LBB2_5-.Ltmp1, $4  }
0x129: {  	[tilespmem:v62+s12+$0x0] =	vst.idx.add.f32.msk $0xffff, v16  }
0x12a: {  	[tilespmem:v11+s12+$0x0] =	vst.idx.add.f32.msk $0xffff, v18  }
0x12b: {  	[tilespmem:v63+s12+$0x0] =	vst.idx.add.f32.msk $0xffff, v20  }
0x12c: {  	s19 =	sadd.s32 $0x40, s19;
	s18 =	sadd.s32 $0x800, s18;
	[tilespmem:v10+s12+$0x0] =	vst.idx.add.f32.msk $0xffff, v22  }
0x12d: {  	s17 =	sadd.s32 $0x1, s17  }
0x12e: {  	p0 =	sne.s32 s17, $0x5  }
.Ltmp2:
0x12f: {  	_ = 	snop;
	(pc) =	sbr.rel @p0 .LBB2_4-.Ltmp2, $2  }
0x130: {  	_ =	sdelay $0x2  }
0x131: {  	s16 =	sadd.s32 $0x190, s16  }
0x132: {  	s14 =	sadd.s32 $0x1, s14  }
0x133: {  	p0 =	sne.s32 s14, s8  }
.Ltmp3:
0x134: {  	_ = 	snop;
	(pc) =	sbr.rel @p0 .LBB2_1-.Ltmp3, $4  }
0x135: {  	[hbm4b:s7+s13] =	stream.strided.scatter [tilespmem:s12], [sflag:$0x1], $0x10000, s11, s13, $0x38;
	[tilespmem:$0x1D000] =	vst v63  }
0x136: {  	_ =	swait.ge [sflag:s10], $0x10000  }
0x137: {  	[sflag:s10] =	ssyncset.done $0x0  }
0x138: {  	[sflag:s10] =	ssyncadd.s32 $0xFFFF0000  }
0x139: {  	_ =	sfence.sel $0x180000  }
0x13a: {  	[bflag:$0x0] =	sbarrier.arrive $0xFFFF  }
0x13b: {  	p0 =	sne.s32 s2, $0x0;
	_ =	strace $0x90000047  }
0x13c: {  	s0 =	sadd.s32 @!p0 $0x100000, s0;
	[bflag:$0x2] =	sbarrier.arrive $0xFFFF  }
0x13d: {  	[sflag:s0] =	ssyncadd.tile.s32 @!p0 $0x1;
	_ =	shalt  }
.Lfunc_end2:
_tile_overlayer_lowered:
.L_overlay_start_2:
0x13e: {  	(tag) =	ssettag $0x2  }
0x13f: {  	s0 =	rddreg [dreg:$0x0];
	s2 =	stileid.u32  }
0x140: {  	s1 =	rddreg [dreg:$0x1];
	p0 =	sne.s32 s2, $0x0  }
0x141: {  	s3 =	rddreg [dreg:$0x2];
	[bflag:$0x3] =	sbarrier.arrive $0xFFFF;
	s2 =	simm.s32 @!p0 $0x1C01  }
0x142: {  	[timem:s3], [sflag:s2] =	dma.local @!p0 [hbm:s0], s1  }
0x143: {  	s0 =	simm.s32 @!p0 $0x1  }
0x144: {  	_ =	swait.ge @!p0 [sflag:s0], s1  }
0x145: {  	s1 =	ssub.s32 @!p0 $0x0, s1;
	[sflag:s0] =	ssyncset.done @!p0 $0x0  }
0x146: {  	[sflag:s0] =	ssyncadd.s32 @!p0 s1  }
0x147: {  	[bflag:$0x3] =	sbarrier.arrive $0xFFFF  }
0x148: {  	_ =	shalt  }

</sc_bundles>
